<compile_context>
chip_gen: v7x
topology: tpu7x:2x2x1
jax: 0.10.2.dev20260603
libtpu: 0.0.44.dev20260713+nightly
codegen_flags: <defaults>
</compile_context>

<pallas_src>
import functools

import jax
import jax.numpy as jnp
from jax import lax
from jax.experimental import pallas as pl
from jax.experimental.pallas import tpu as pltpu
from jax.experimental.pallas import tpu_sc as plsc

NEG_SLOPE = 0.2
D = 128
HW = 144
NC = 2
NS = 16
NW = NC * NS
K = 80
SB = 5
R = 400


def _leaky(x):
    return jnp.where(x >= 0, x, NEG_SLOPE * x)


def _mm_body(z_ref, w_ref, as_ref, ad_ref, o_ref, oad_ref):
    zb = z_ref[...]
    hb = jnp.dot(zb, w_ref[...], preferred_element_type=jnp.float32)
    a_s = jnp.sum(hb * as_ref[...], axis=1, keepdims=True)
    a_d = jnp.sum(hb * ad_ref[...], axis=1, keepdims=True)
    lane = lax.broadcasted_iota(jnp.int32, (R, HW - D), 1)
    ex = jnp.where(lane == 0, 1.0,
                   jnp.where(lane == 1, a_s,
                             jnp.where(lane == 2, a_d, 0.0)))
    o_ref[...] = jnp.concatenate([hb, ex.astype(jnp.float32)], axis=1)
    oad_ref[...] = a_d


def _make_hext(z, W, att_src, att_dst):
    n = z.shape[0]
    grid = n // R
    return pl.pallas_call(
        _mm_body,
        grid=(grid,),
        in_specs=[
            pl.BlockSpec((R, D), lambda i: (i, 0)),
            pl.BlockSpec((D, D), lambda i: (0, 0)),
            pl.BlockSpec((1, D), lambda i: (0, 0)),
            pl.BlockSpec((1, D), lambda i: (0, 0)),
        ],
        out_specs=[pl.BlockSpec((R, HW), lambda i: (i, 0)),
                   pl.BlockSpec((R, 1), lambda i: (i, 0))],
        out_shape=[jax.ShapeDtypeStruct((n, HW), jnp.float32),
                   jax.ShapeDtypeStruct((n, 1), jnp.float32)],
    )(z, W, att_src.reshape(1, D), att_dst.reshape(1, D))


def _edge_body(n, e_t, hext, adst, edges_r, accs,
               si2, di2, advals, wv, rows_all, acc_sh,
               isems, gsems, ssems):
    c = lax.axis_index("c")
    s = lax.axis_index("s")
    wid = c * NS + s
    rows_t = n // NS
    ch = e_t // K
    row0 = wid * ch
    l16 = lax.iota(jnp.int32, 16)

    def _zrow(r, carry):
        for cc in range(HW // 16):
            rows_all[0, r, pl.ds(cc * 16, 16)] = jnp.zeros((16,), jnp.float32)
        return carry
    lax.fori_loop(0, K, _zrow, 0)
    base_r = s * rows_t
    full, rem = rows_t // K, rows_t % K
    def _zacc(j, carry):
        pltpu.sync_copy(rows_all.at[0], acc_sh.at[pl.ds(base_r + j * K, K)])
        return carry
    lax.fori_loop(0, full, _zacc, 0)
    if rem:
        pltpu.sync_copy(rows_all.at[0, pl.ds(0, rem)],
                        acc_sh.at[pl.ds(base_r + full * K, rem)])
    plsc.subcore_barrier()

    pltpu.sync_copy(edges_r.at[0, pl.ds(row0, SB)], si2.at[0])
    pltpu.sync_copy(edges_r.at[1, pl.ds(row0, SB)], di2.at[0])
    pltpu.async_copy(edges_r.at[0, pl.ds(row0 + SB, SB)], si2.at[1],
                     isems.at[1])
    pltpu.async_copy(edges_r.at[1, pl.ds(row0 + SB, SB)], di2.at[1],
                     isems.at[1])
    for g0 in range(2):
        pltpu.async_copy(hext.at[si2.at[0, g0]], rows_all.at[g0],
                         gsems.at[g0])
        pltpu.async_copy(adst.at[di2.at[0, g0]], advals.at[g0],
                         gsems.at[g0])

    def _chunk(g, carry):
        b3 = lax.rem(g, 3)
        sb = lax.rem(lax.div(g, SB), 3)
        slot = lax.rem(g, SB)
        g2 = g + 2
        b2 = lax.rem(g2, 3)
        sb2 = lax.rem(lax.div(g2, SB), 3)
        slot2 = lax.rem(g2, SB)

        pltpu.make_async_copy(hext.at[si2.at[sb, slot]], rows_all.at[b3],
                              gsems.at[b3]).wait()
        pltpu.make_async_copy(adst.at[di2.at[sb, slot]], advals.at[b3],
                              gsems.at[b3]).wait()

        @pl.when(g >= 1)
        def _():
            pg = g - 1
            pltpu.make_async_copy(
                rows_all.at[lax.rem(pg, 3)],
                acc_sh.at[di2.at[lax.rem(lax.div(pg, SB), 3),
                                 lax.rem(pg, SB)]],
                ssems.at[lax.rem(pg, 3)]).wait()

        @pl.when((slot2 == 0) & (g2 < ch))
        def _():
            rs = row0 + g2
            pltpu.make_async_copy(edges_r.at[0, pl.ds(rs, SB)],
                                  si2.at[sb2], isems.at[sb2]).wait()
            pltpu.make_async_copy(edges_r.at[1, pl.ds(rs, SB)],
                                  di2.at[sb2], isems.at[sb2]).wait()

            @pl.when(g2 + SB < ch)
            def _():
                rsn = rs + SB
                sbn = lax.rem(sb2 + 1, 3)
                pltpu.async_copy(edges_r.at[0, pl.ds(rsn, SB)],
                                 si2.at[sbn], isems.at[sbn])
                pltpu.async_copy(edges_r.at[1, pl.ds(rsn, SB)],
                                 di2.at[sbn], isems.at[sbn])

        @pl.when(g2 < ch)
        def _():
            pltpu.async_copy(hext.at[si2.at[sb2, slot2]], rows_all.at[b2],
                             gsems.at[b2])
            pltpu.async_copy(adst.at[di2.at[sb2, slot2]], advals.at[b2],
                             gsems.at[b2])

        @plsc.parallel_loop(0, K, step=16, unroll=2)
        def _wgrp(t):
            e16 = l16 + t
            a_s = plsc.load_gather(
                rows_all, [jnp.full((16,), 0, jnp.int32) + b3, e16,
                           jnp.full((16,), D + 1, jnp.int32)])
            av = a_s + advals[b3, pl.ds(t, 16)]
            wv[pl.ds(t, 16)] = jnp.exp(_leaky(av))

        @plsc.parallel_loop(0, K, step=1, unroll=4)
        def _scale(e):
            wb = plsc.load_gather(wv, [jnp.full((16,), 0, jnp.int32) + e])
            for cc in range(D // 16):
                rows_all[b3, e, pl.ds(cc * 16, 16)] = (
                    rows_all[b3, e, pl.ds(cc * 16, 16)] * wb)
            rows_all[b3, e, pl.ds(D, 16)] = jnp.where(
                l16 == 0, wb, jnp.zeros((16,), jnp.float32))

        pltpu.async_copy(rows_all.at[b3], acc_sh.at[di2.at[sb, slot]],
                         ssems.at[b3], add=True)
        return carry
    lax.fori_loop(0, ch, _chunk, 0)

    pltpu.make_async_copy(rows_all.at[(ch - 1) % 3],
                          acc_sh.at[di2.at[((ch - 1) // SB) % 3,
                                           (ch - 1) % SB]],
                          ssems.at[(ch - 1) % 3]).wait()
    plsc.subcore_barrier()
    pltpu.sync_copy(acc_sh.at[pl.ds(base_r, rows_t)],
                    accs.at[c, pl.ds(base_r, rows_t)])


def _edge_sc(hext, adst, edges_r, e_t):
    n = hext.shape[0]
    mesh = plsc.VectorSubcoreMesh(core_axis_name="c", subcore_axis_name="s",
                                  num_cores=NC, num_subcores=NS)
    fn = functools.partial(
        pl.kernel,
        out_type=jax.ShapeDtypeStruct((NC, n, HW), jnp.float32),
        mesh=mesh,
        scratch_types=[
            pltpu.VMEM((3, SB, K), jnp.int32),
            pltpu.VMEM((3, SB, K), jnp.int32),
            pltpu.VMEM((3, K), jnp.float32),
            pltpu.VMEM((K,), jnp.float32),
            pltpu.VMEM((3, K, HW), jnp.float32),
            pltpu.VMEM_SHARED((n, HW), jnp.float32),
            pltpu.SemaphoreType.DMA((3,)),
            pltpu.SemaphoreType.DMA((3,)),
            pltpu.SemaphoreType.DMA((3,)),
        ],
        compiler_params=pltpu.CompilerParams(use_tc_tiling_on_sc=False,
                                             needs_layout_passes=False),
    )(functools.partial(_edge_body, n, e_t))
    return fn(hext, adst, edges_r)


def _fin_body(acc_ref, hx_ref, b_ref, o_ref):
    acc = acc_ref[0] + acc_ref[1]
    hx = hx_ref[...]
    h = hx[:, :D]
    ws = jnp.exp(_leaky(hx[:, D + 1:D + 2] + hx[:, D + 2:D + 3]))
    denom = acc[:, D:D + 1] + ws + 1e-16
    o_ref[...] = (acc[:, :D] + ws * h) / denom + b_ref[...]


def _finalize(accs, hext, bias):
    n = hext.shape[0]
    grid = n // R
    return pl.pallas_call(
        _fin_body,
        grid=(grid,),
        in_specs=[
            pl.BlockSpec((NC, R, HW), lambda i: (0, i, 0)),
            pl.BlockSpec((R, HW), lambda i: (i, 0)),
            pl.BlockSpec((1, D), lambda i: (0, 0)),
        ],
        out_specs=pl.BlockSpec((R, D), lambda i: (i, 0)),
        out_shape=jax.ShapeDtypeStruct((n, D), jnp.float32),
    )(accs, hext, bias.reshape(1, D))


def kernel(z, edge_index, W, att_src, att_dst, bias):
    hext, adst2 = _make_hext(z, W, att_src, att_dst)
    adst = adst2.reshape(-1)
    e = edge_index.shape[1]
    edges_r = edge_index.reshape(2, e // K, K)
    accs = _edge_sc(hext, adst, edges_r, e // NW)
    return _finalize(accs, hext, bias)

# --- scband reference (transcript-rebuilt; emitter-appended) ---
"""Pipeline reference for scband-graph-decoder-30932354466113 (READ-ONLY COPY).

The authoritative reference and input builder live on the scoring server;
editing this copy changes nothing except your own understanding.
"""

import jax, jax.numpy as jnp
import numpy as np

N = 10000
E = 320000
IN_DIM = 128
OUT_DIM = 128
NEG_SLOPE = 0.2


def setup_inputs(seed: int = 0) -> dict:
    key = jax.random.key(seed)
    k1, k2, k3, k4, k5 = jax.random.split(key, 5)
    z = jax.random.normal(k1, (N, IN_DIM), dtype=jnp.float32)
    edge_index = jax.random.randint(k2, (2, E), 0, N, dtype=jnp.int32)
    # GATConv(in=128, out=128, heads=1) learned params
    W = jax.random.normal(k3, (IN_DIM, OUT_DIM), dtype=jnp.float32) * (1.0 / np.sqrt(IN_DIM))
    att_src = jax.random.normal(k4, (OUT_DIM,), dtype=jnp.float32) * 0.1
    att_dst = jax.random.normal(k5, (OUT_DIM,), dtype=jnp.float32) * 0.1
    bias = jnp.zeros((OUT_DIM,), dtype=jnp.float32)
    return {"z": z, "edge_index": edge_index, "W": W, "att_src": att_src, "att_dst": att_dst, "bias": bias}


def reference(z, edge_index, W, att_src, att_dst, bias):
    # Faithful GATConv (heads=1, concat=True, add_self_loops=True, negative_slope=0.2)
    n = z.shape[0]
    self_loop = jnp.arange(n, dtype=edge_index.dtype)
    src = jnp.concatenate([edge_index[0], self_loop])
    dst = jnp.concatenate([edge_index[1], self_loop])
    h = z @ W  # [N, OUT_DIM]
    a_src = (h * att_src).sum(axis=-1)  # [N]
    a_dst = (h * att_dst).sum(axis=-1)  # [N]
    alpha = a_src[src] + a_dst[dst]  # [E+N]
    alpha = jax.nn.leaky_relu(alpha, NEG_SLOPE)
    # softmax over edges grouped by destination node (every segment nonempty due to self loops)
    amax = jax.ops.segment_max(alpha, dst, num_segments=n)
    alpha = jnp.exp(alpha - amax[dst])
    denom = jax.ops.segment_sum(alpha, dst, num_segments=n)
    alpha = alpha / (denom[dst] + 1e-16)
    msg = h[src] * alpha[:, None]  # [E+N, OUT_DIM]
    out = jax.ops.segment_sum(msg, dst, num_segments=n)  # [N, OUT_DIM]
    return out + bias

if __name__ == "__main__":
    import jax
    _d = setup_inputs()
    print(jax.jit(kernel)(*tuple(_d.values())))

</pallas_src>

<mosaic_0001>
#map = affine_map<(d0, d1) -> (0, 0)>
#map1 = affine_map<(d0, d1) -> (0)>
#map2 = affine_map<(d0, d1) -> (0, 0, 0)>
module attributes {stable_mosaic.version = 14 : i64} {
  func.func @_edge_body(%arg0: i32, %arg1: i32, %arg2: memref<10000x144xf32, #tpu.memory_space<hbm>>, %arg3: memref<10000xf32, #tpu.memory_space<hbm>>, %arg4: memref<2x4000x80xi32, #tpu.memory_space<hbm>>, %arg5: memref<2x10000x144xf32, #tpu.memory_space<hbm>>, %arg6: memref<3x5x80xi32, #tpu.memory_space<vmem>>, %arg7: memref<3x5x80xi32, #tpu.memory_space<vmem>>, %arg8: memref<3x80xf32, #tpu.memory_space<vmem>>, %arg9: memref<80xf32, #tpu.memory_space<vmem>>, %arg10: memref<3x80x144xf32, #tpu.memory_space<vmem>>, %arg11: memref<10000x144xf32, #tpu.memory_space<vmem_shared>>, %arg12: memref<3x!tpu.dma_semaphore, #tpu.memory_space<semaphore_mem>>, %arg13: memref<3x!tpu.dma_semaphore, #tpu.memory_space<semaphore_mem>>, %arg14: memref<3x!tpu.dma_semaphore, #tpu.memory_space<semaphore_mem>>) attributes {dimension_semantics = [#tpu.dimension_semantics<core_parallel>, #tpu.dimension_semantics<subcore_parallel>], iteration_bounds = array<i64: 2, 16>, scalar_prefetch = 0 : i64, scratch_operands = 9 : i64, tpu.core_type = #tpu.core_type<sc_vector_subcore>, window_params = [{transform_indices = #map}, {transform_indices = #map1}, {transform_indices = #map2}, {transform_indices = #map2}]} {
    %mul3A = arith.constant 16 : i32
    %mul3A_0 = arith.muli %arg0, %mul3A : i32
    %add3A = arith.addi %mul3A_0, %arg1 : i32
    %mul3A_1 = arith.constant 125 : i32
    %mul3A_2 = arith.muli %add3A, %mul3A_1 : i32
    %iota3A = tpu.iota {dimensions = array<i32: 0>} : vector<16xi32>
    %scan3A = arith.constant 0 : i32
    %scan3A_3 = arith.constant 0 : i32
    %scan3A_4 = arith.constant 80 : i32
    %scan3A_5 = arith.addi %scan3A_3, %scan3A_4 : i32
    %scan3A_6 = arith.constant 1 : i32
    scf.for %scan3A_145 = %scan3A_3 to %scan3A_5 step %scan3A_6  : i32 {
      %broadcast_in_dim3A = arith.constant 0.000000e+00 : f32
      %broadcast_in_dim3A_146 = vector.broadcast %broadcast_in_dim3A : f32 to vector<16xf32>
      %swap3A = arith.constant 0 : i32
      %swap3A_147 = arith.index_cast %swap3A : i32 to index
      %swap3A_148 = arith.index_cast %scan3A_145 : i32 to index
      %swap3A_149 = arith.constant 0 : index
      %swap3A_150 = tpu.vector_load %arg10[%swap3A_147, %swap3A_148, %swap3A_149] {strides = array<i32>} : memref<3x80x144xf32, #tpu.memory_space<vmem>>, vector<16xf32>,
      tpu.vector_store %arg10[%swap3A_147, %swap3A_148, %swap3A_149], %broadcast_in_dim3A_146 {strides = array<i32>} : memref<3x80x144xf32, #tpu.memory_space<vmem>>, vector<16xf32>,
      %broadcast_in_dim3A_151 = arith.constant 0.000000e+00 : f32
      %broadcast_in_dim3A_152 = vector.broadcast %broadcast_in_dim3A_151 : f32 to vector<16xf32>
      %swap3A_153 = arith.constant 0 : i32
      %swap3A_154 = arith.index_cast %swap3A_153 : i32 to index
      %swap3A_155 = arith.index_cast %scan3A_145 : i32 to index
      %swap3A_156 = arith.constant 16 : index
      %swap3A_157 = tpu.vector_load %arg10[%swap3A_154, %swap3A_155, %swap3A_156] {strides = array<i32>} : memref<3x80x144xf32, #tpu.memory_space<vmem>>, vector<16xf32>,
      tpu.vector_store %arg10[%swap3A_154, %swap3A_155, %swap3A_156], %broadcast_in_dim3A_152 {strides = array<i32>} : memref<3x80x144xf32, #tpu.memory_space<vmem>>, vector<16xf32>,
      %broadcast_in_dim3A_158 = arith.constant 0.000000e+00 : f32
      %broadcast_in_dim3A_159 = vector.broadcast %broadcast_in_dim3A_158 : f32 to vector<16xf32>
      %swap3A_160 = arith.constant 0 : i32
      %swap3A_161 = arith.index_cast %swap3A_160 : i32 to index
      %swap3A_162 = arith.index_cast %scan3A_145 : i32 to index
      %swap3A_163 = arith.constant 32 : index
      %swap3A_164 = tpu.vector_load %arg10[%swap3A_161, %swap3A_162, %swap3A_163] {strides = array<i32>} : memref<3x80x144xf32, #tpu.memory_space<vmem>>, vector<16xf32>,
      tpu.vector_store %arg10[%swap3A_161, %swap3A_162, %swap3A_163], %broadcast_in_dim3A_159 {strides = array<i32>} : memref<3x80x144xf32, #tpu.memory_space<vmem>>, vector<16xf32>,
      %broadcast_in_dim3A_165 = arith.constant 0.000000e+00 : f32
      %broadcast_in_dim3A_166 = vector.broadcast %broadcast_in_dim3A_165 : f32 to vector<16xf32>
      %swap3A_167 = arith.constant 0 : i32
      %swap3A_168 = arith.index_cast %swap3A_167 : i32 to index
      %swap3A_169 = arith.index_cast %scan3A_145 : i32 to index
      %swap3A_170 = arith.constant 48 : index
      %swap3A_171 = tpu.vector_load %arg10[%swap3A_168, %swap3A_169, %swap3A_170] {strides = array<i32>} : memref<3x80x144xf32, #tpu.memory_space<vmem>>, vector<16xf32>,
      tpu.vector_store %arg10[%swap3A_168, %swap3A_169, %swap3A_170], %broadcast_in_dim3A_166 {strides = array<i32>} : memref<3x80x144xf32, #tpu.memory_space<vmem>>, vector<16xf32>,
      %broadcast_in_dim3A_172 = arith.constant 0.000000e+00 : f32
      %broadcast_in_dim3A_173 = vector.broadcast %broadcast_in_dim3A_172 : f32 to vector<16xf32>
      %swap3A_174 = arith.constant 0 : i32
      %swap3A_175 = arith.index_cast %swap3A_174 : i32 to index
      %swap3A_176 = arith.index_cast %scan3A_145 : i32 to index
      %swap3A_177 = arith.constant 64 : index
      %swap3A_178 = tpu.vector_load %arg10[%swap3A_175, %swap3A_176, %swap3A_177] {strides = array<i32>} : memref<3x80x144xf32, #tpu.memory_space<vmem>>, vector<16xf32>,
      tpu.vector_store %arg10[%swap3A_175, %swap3A_176, %swap3A_177], %broadcast_in_dim3A_173 {strides = array<i32>} : memref<3x80x144xf32, #tpu.memory_space<vmem>>, vector<16xf32>,
      %broadcast_in_dim3A_179 = arith.constant 0.000000e+00 : f32
      %broadcast_in_dim3A_180 = vector.broadcast %broadcast_in_dim3A_179 : f32 to vector<16xf32>
      %swap3A_181 = arith.constant 0 : i32
      %swap3A_182 = arith.index_cast %swap3A_181 : i32 to index
      %swap3A_183 = arith.index_cast %scan3A_145 : i32 to index
      %swap3A_184 = arith.constant 80 : index
      %swap3A_185 = tpu.vector_load %arg10[%swap3A_182, %swap3A_183, %swap3A_184] {strides = array<i32>} : memref<3x80x144xf32, #tpu.memory_space<vmem>>, vector<16xf32>,
      tpu.vector_store %arg10[%swap3A_182, %swap3A_183, %swap3A_184], %broadcast_in_dim3A_180 {strides = array<i32>} : memref<3x80x144xf32, #tpu.memory_space<vmem>>, vector<16xf32>,
      %broadcast_in_dim3A_186 = arith.constant 0.000000e+00 : f32
      %broadcast_in_dim3A_187 = vector.broadcast %broadcast_in_dim3A_186 : f32 to vector<16xf32>
      %swap3A_188 = arith.constant 0 : i32
      %swap3A_189 = arith.index_cast %swap3A_188 : i32 to index
      %swap3A_190 = arith.index_cast %scan3A_145 : i32 to index
      %swap3A_191 = arith.constant 96 : index
      %swap3A_192 = tpu.vector_load %arg10[%swap3A_189, %swap3A_190, %swap3A_191] {strides = array<i32>} : memref<3x80x144xf32, #tpu.memory_space<vmem>>, vector<16xf32>,
      tpu.vector_store %arg10[%swap3A_189, %swap3A_190, %swap3A_191], %broadcast_in_dim3A_187 {strides = array<i32>} : memref<3x80x144xf32, #tpu.memory_space<vmem>>, vector<16xf32>,
      %broadcast_in_dim3A_193 = arith.constant 0.000000e+00 : f32
      %broadcast_in_dim3A_194 = vector.broadcast %broadcast_in_dim3A_193 : f32 to vector<16xf32>
      %swap3A_195 = arith.constant 0 : i32
      %swap3A_196 = arith.index_cast %swap3A_195 : i32 to index
      %swap3A_197 = arith.index_cast %scan3A_145 : i32 to index
      %swap3A_198 = arith.constant 112 : index
      %swap3A_199 = tpu.vector_load %arg10[%swap3A_196, %swap3A_197, %swap3A_198] {strides = array<i32>} : memref<3x80x144xf32, #tpu.memory_space<vmem>>, vector<16xf32>,
      tpu.vector_store %arg10[%swap3A_196, %swap3A_197, %swap3A_198], %broadcast_in_dim3A_194 {strides = array<i32>} : memref<3x80x144xf32, #tpu.memory_space<vmem>>, vector<16xf32>,
      %broadcast_in_dim3A_200 = arith.constant 0.000000e+00 : f32
      %broadcast_in_dim3A_201 = vector.broadcast %broadcast_in_dim3A_200 : f32 to vector<16xf32>
      %swap3A_202 = arith.constant 0 : i32
      %swap3A_203 = arith.index_cast %swap3A_202 : i32 to index
      %swap3A_204 = arith.index_cast %scan3A_145 : i32 to index
      %swap3A_205 = arith.constant 128 : index
      %swap3A_206 = tpu.vector_load %arg10[%swap3A_203, %swap3A_204, %swap3A_205] {strides = array<i32>} : memref<3x80x144xf32, #tpu.memory_space<vmem>>, vector<16xf32>,
      tpu.vector_store %arg10[%swap3A_203, %swap3A_204, %swap3A_205], %broadcast_in_dim3A_201 {strides = array<i32>} : memref<3x80x144xf32, #tpu.memory_space<vmem>>, vector<16xf32>,
    }
    %scan3A_7 = arith.constant 80 : i32
    %mul3A_8 = arith.constant 625 : i32
    %mul3A_9 = arith.muli %arg1, %mul3A_8 : i32
    %scan3A_10 = arith.constant 0 : i32
    %scan3A_11 = arith.constant 0 : i32
    %scan3A_12 = arith.constant 7 : i32
    %scan3A_13 = arith.addi %scan3A_11, %scan3A_12 : i32
    %scan3A_14 = arith.constant 1 : i32
    scf.for %scan3A_145 = %scan3A_11 to %scan3A_13 step %scan3A_14  : i32 {
      %mul3A_146 = arith.constant 80 : i32
      %mul3A_147 = arith.muli %scan3A_145, %mul3A_146 : i32
      %add3A_148 = arith.addi %mul3A_9, %mul3A_147 : i32
      %run_scoped3A_149 = arith.constant 0 : i32
      "tpu.region"() ({
        %run_scoped3A_150 = tpu.sem_alloc : memref<!tpu.dma_semaphore, #tpu.memory_space<semaphore_mem>>
        %dma_start3A_151 = arith.constant 0 : i32
        %dma_start3A_152 = arith.constant 0 : i32
        %dma_start3A_153 = tpu.memref_slice %arg10[%run_scoped3A_149, %dma_start3A_151, %dma_start3A_152] : memref<3x80x144xf32, #tpu.memory_space<vmem>> -> memref<1x80x144xf32, #tpu.memory_space<vmem>>
        %dma_start3A_154 = tpu.memref_squeeze %dma_start3A_153 : memref<1x80x144xf32, #tpu.memory_space<vmem>> -> memref<80x144xf32, #tpu.memory_space<vmem>>
        %dma_start3A_155 = arith.constant 0 : i32
        %dma_start3A_156 = tpu.memref_slice %arg11[%add3A_148, %dma_start3A_155] : memref<10000x144xf32, #tpu.memory_space<vmem_shared>> -> memref<80x144xf32, #tpu.memory_space<vmem_shared>>
        %dma_start3A_157 = arith.constant 0 : i32
        %dma_start3A_158 = tpu.memref_slice %arg11[%add3A_148, %dma_start3A_157] : memref<10000x144xf32, #tpu.memory_space<vmem_shared>> -> memref<80x144xf32, #tpu.memory_space<vmem_shared>>
        %dma_start3A_159 = arith.constant 0 : i32
        %dma_start3A_160 = arith.constant 0 : i32
        %dma_start3A_161 = tpu.memref_slice %arg10[%run_scoped3A_149, %dma_start3A_159, %dma_start3A_160] : memref<3x80x144xf32, #tpu.memory_space<vmem>> -> memref<1x80x144xf32, #tpu.memory_space<vmem>>
        %dma_start3A_162 = tpu.memref_squeeze %dma_start3A_161 : memref<1x80x144xf32, #tpu.memory_space<vmem>> -> memref<80x144xf32, #tpu.memory_space<vmem>>
        tpu.enqueue_dma source(%dma_start3A_162 : memref<80x144xf32, #tpu.memory_space<vmem>>) target(%dma_start3A_158 : memref<80x144xf32, #tpu.memory_space<vmem_shared>>) target_semaphore(%run_scoped3A_150 : memref<!tpu.dma_semaphore, #tpu.memory_space<semaphore_mem>>)
        %dma_wait3A_163 = arith.constant 0 : i32
        %dma_wait3A_164 = arith.constant 0 : i32
        %dma_wait3A_165 = tpu.memref_slice %arg10[%run_scoped3A_149, %dma_wait3A_163, %dma_wait3A_164] : memref<3x80x144xf32, #tpu.memory_space<vmem>> -> memref<1x80x144xf32, #tpu.memory_space<vmem>>
        %dma_wait3A_166 = tpu.memref_squeeze %dma_wait3A_165 : memref<1x80x144xf32, #tpu.memory_space<vmem>> -> memref<80x144xf32, #tpu.memory_space<vmem>>
        %dma_wait3A_167 = arith.constant 0 : i32
        %dma_wait3A_168 = tpu.memref_slice %arg11[%add3A_148, %dma_wait3A_167] : memref<10000x144xf32, #tpu.memory_space<vmem_shared>> -> memref<80x144xf32, #tpu.memory_space<vmem_shared>>
        %dma_wait3A_169 = arith.constant 0 : i32
        %dma_wait3A_170 = tpu.memref_slice %arg11[%add3A_148, %dma_wait3A_169] : memref<10000x144xf32, #tpu.memory_space<vmem_shared>> -> memref<80x144xf32, #tpu.memory_space<vmem_shared>>
        %dma_wait3A_171 = arith.constant 0 : i32
        %dma_wait3A_172 = arith.constant 0 : i32
        %dma_wait3A_173 = tpu.memref_slice %arg10[%run_scoped3A_149, %dma_wait3A_171, %dma_wait3A_172] : memref<3x80x144xf32, #tpu.memory_space<vmem>> -> memref<1x80x144xf32, #tpu.memory_space<vmem>>
        %dma_wait3A_174 = tpu.memref_squeeze %dma_wait3A_173 : memref<1x80x144xf32, #tpu.memory_space<vmem>> -> memref<80x144xf32, #tpu.memory_space<vmem>>
        tpu.wait_dma2 semaphore(%run_scoped3A_150 : memref<!tpu.dma_semaphore, #tpu.memory_space<semaphore_mem>>) src(%dma_wait3A_174 : memref<80x144xf32, #tpu.memory_space<vmem>>) dst(%dma_wait3A_170 : memref<80x144xf32, #tpu.memory_space<vmem_shared>>)
        tpu.yield
      }) : () -> ()
    }
    %scan3A_15 = arith.constant 7 : i32
    %add3A_16 = arith.constant 560 : i32
    %add3A_17 = arith.addi %mul3A_9, %add3A_16 : i32
    %run_scoped3A = arith.constant 0 : i32
    "tpu.region"() ({
      %run_scoped3A_145 = tpu.sem_alloc : memref<!tpu.dma_semaphore, #tpu.memory_space<semaphore_mem>>
      %dma_start3A_146 = arith.constant 0 : i32
      %dma_start3A_147 = arith.constant 0 : i32
      %dma_start3A_148 = tpu.memref_slice %arg10[%run_scoped3A, %dma_start3A_146, %dma_start3A_147] : memref<3x80x144xf32, #tpu.memory_space<vmem>> -> memref<1x65x144xf32, #tpu.memory_space<vmem>>
      %dma_start3A_149 = tpu.memref_squeeze %dma_start3A_148 : memref<1x65x144xf32, #tpu.memory_space<vmem>> -> memref<65x144xf32, #tpu.memory_space<vmem>>
      %dma_start3A_150 = arith.constant 0 : i32
      %dma_start3A_151 = tpu.memref_slice %arg11[%add3A_17, %dma_start3A_150] : memref<10000x144xf32, #tpu.memory_space<vmem_shared>> -> memref<65x144xf32, #tpu.memory_space<vmem_shared>>
      %dma_start3A_152 = arith.constant 0 : i32
      %dma_start3A_153 = tpu.memref_slice %arg11[%add3A_17, %dma_start3A_152] : memref<10000x144xf32, #tpu.memory_space<vmem_shared>> -> memref<65x144xf32, #tpu.memory_space<vmem_shared>>
      %dma_start3A_154 = arith.constant 0 : i32
      %dma_start3A_155 = arith.constant 0 : i32
      %dma_start3A_156 = tpu.memref_slice %arg10[%run_scoped3A, %dma_start3A_154, %dma_start3A_155] : memref<3x80x144xf32, #tpu.memory_space<vmem>> -> memref<1x65x144xf32, #tpu.memory_space<vmem>>
      %dma_start3A_157 = tpu.memref_squeeze %dma_start3A_156 : memref<1x65x144xf32, #tpu.memory_space<vmem>> -> memref<65x144xf32, #tpu.memory_space<vmem>>
      tpu.enqueue_dma source(%dma_start3A_157 : memref<65x144xf32, #tpu.memory_space<vmem>>) target(%dma_start3A_153 : memref<65x144xf32, #tpu.memory_space<vmem_shared>>) target_semaphore(%run_scoped3A_145 : memref<!tpu.dma_semaphore, #tpu.memory_space<semaphore_mem>>)
      %dma_wait3A_158 = arith.constant 0 : i32
      %dma_wait3A_159 = arith.constant 0 : i32
      %dma_wait3A_160 = tpu.memref_slice %arg10[%run_scoped3A, %dma_wait3A_158, %dma_wait3A_159] : memref<3x80x144xf32, #tpu.memory_space<vmem>> -> memref<1x65x144xf32, #tpu.memory_space<vmem>>
      %dma_wait3A_161 = tpu.memref_squeeze %dma_wait3A_160 : memref<1x65x144xf32, #tpu.memory_space<vmem>> -> memref<65x144xf32, #tpu.memory_space<vmem>>
      %dma_wait3A_162 = arith.constant 0 : i32
      %dma_wait3A_163 = tpu.memref_slice %arg11[%add3A_17, %dma_wait3A_162] : memref<10000x144xf32, #tpu.memory_space<vmem_shared>> -> memref<65x144xf32, #tpu.memory_space<vmem_shared>>
      %dma_wait3A_164 = arith.constant 0 : i32
      %dma_wait3A_165 = tpu.memref_slice %arg11[%add3A_17, %dma_wait3A_164] : memref<10000x144xf32, #tpu.memory_space<vmem_shared>> -> memref<65x144xf32, #tpu.memory_space<vmem_shared>>
      %dma_wait3A_166 = arith.constant 0 : i32
      %dma_wait3A_167 = arith.constant 0 : i32
      %dma_wait3A_168 = tpu.memref_slice %arg10[%run_scoped3A, %dma_wait3A_166, %dma_wait3A_167] : memref<3x80x144xf32, #tpu.memory_space<vmem>> -> memref<1x65x144xf32, #tpu.memory_space<vmem>>
      %dma_wait3A_169 = tpu.memref_squeeze %dma_wait3A_168 : memref<1x65x144xf32, #tpu.memory_space<vmem>> -> memref<65x144xf32, #tpu.memory_space<vmem>>
      tpu.wait_dma2 semaphore(%run_scoped3A_145 : memref<!tpu.dma_semaphore, #tpu.memory_space<semaphore_mem>>) src(%dma_wait3A_169 : memref<65x144xf32, #tpu.memory_space<vmem>>) dst(%dma_wait3A_165 : memref<65x144xf32, #tpu.memory_space<vmem_shared>>)
      tpu.yield
    }) : () -> ()
    %barrier3A = arith.constant 0 : index
    tpu.barrier barrier_id(%barrier3A)
    %run_scoped3A_18 = arith.constant 0 : i32
    %run_scoped3A_19 = arith.constant 0 : i32
    "tpu.region"() ({
      %run_scoped3A_145 = tpu.sem_alloc : memref<!tpu.dma_semaphore, #tpu.memory_space<semaphore_mem>>
      %dma_start3A_146 = arith.constant 0 : i32
      %dma_start3A_147 = arith.constant 0 : i32
      %dma_start3A_148 = tpu.memref_slice %arg6[%run_scoped3A_19, %dma_start3A_146, %dma_start3A_147] : memref<3x5x80xi32, #tpu.memory_space<vmem>> -> memref<1x5x80xi32, #tpu.memory_space<vmem>>
      %dma_start3A_149 = tpu.memref_squeeze %dma_start3A_148 : memref<1x5x80xi32, #tpu.memory_space<vmem>> -> memref<5x80xi32, #tpu.memory_space<vmem>>
      %dma_start3A_150 = arith.constant 0 : i32
      %dma_start3A_151 = tpu.memref_slice %arg4[%run_scoped3A_18, %mul3A_2, %dma_start3A_150] : memref<2x4000x80xi32, #tpu.memory_space<hbm>> -> memref<1x5x80xi32, #tpu.memory_space<hbm>>
      %dma_start3A_152 = tpu.memref_squeeze %dma_start3A_151 : memref<1x5x80xi32, #tpu.memory_space<hbm>> -> memref<5x80xi32, #tpu.memory_space<hbm>>
      %dma_start3A_153 = arith.constant 0 : i32
      %dma_start3A_154 = arith.constant 0 : i32
      %dma_start3A_155 = tpu.memref_slice %arg6[%run_scoped3A_19, %dma_start3A_153, %dma_start3A_154] : memref<3x5x80xi32, #tpu.memory_space<vmem>> -> memref<1x5x80xi32, #tpu.memory_space<vmem>>
      %dma_start3A_156 = tpu.memref_squeeze %dma_start3A_155 : memref<1x5x80xi32, #tpu.memory_space<vmem>> -> memref<5x80xi32, #tpu.memory_space<vmem>>
      %dma_start3A_157 = arith.constant 0 : i32
      %dma_start3A_158 = tpu.memref_slice %arg4[%run_scoped3A_18, %mul3A_2, %dma_start3A_157] : memref<2x4000x80xi32, #tpu.memory_space<hbm>> -> memref<1x5x80xi32, #tpu.memory_space<hbm>>
      %dma_start3A_159 = tpu.memref_squeeze %dma_start3A_158 : memref<1x5x80xi32, #tpu.memory_space<hbm>> -> memref<5x80xi32, #tpu.memory_space<hbm>>
      tpu.enqueue_dma source(%dma_start3A_159 : memref<5x80xi32, #tpu.memory_space<hbm>>) target(%dma_start3A_156 : memref<5x80xi32, #tpu.memory_space<vmem>>) target_semaphore(%run_scoped3A_145 : memref<!tpu.dma_semaphore, #tpu.memory_space<semaphore_mem>>)
      %dma_wait3A_160 = arith.constant 0 : i32
      %dma_wait3A_161 = arith.constant 0 : i32
      %dma_wait3A_162 = tpu.memref_slice %arg6[%run_scoped3A_19, %dma_wait3A_160, %dma_wait3A_161] : memref<3x5x80xi32, #tpu.memory_space<vmem>> -> memref<1x5x80xi32, #tpu.memory_space<vmem>>
      %dma_wait3A_163 = tpu.memref_squeeze %dma_wait3A_162 : memref<1x5x80xi32, #tpu.memory_space<vmem>> -> memref<5x80xi32, #tpu.memory_space<vmem>>
      %dma_wait3A_164 = arith.constant 0 : i32
      %dma_wait3A_165 = tpu.memref_slice %arg4[%run_scoped3A_18, %mul3A_2, %dma_wait3A_164] : memref<2x4000x80xi32, #tpu.memory_space<hbm>> -> memref<1x5x80xi32, #tpu.memory_space<hbm>>
      %dma_wait3A_166 = tpu.memref_squeeze %dma_wait3A_165 : memref<1x5x80xi32, #tpu.memory_space<hbm>> -> memref<5x80xi32, #tpu.memory_space<hbm>>
      %dma_wait3A_167 = arith.constant 0 : i32
      %dma_wait3A_168 = arith.constant 0 : i32
      %dma_wait3A_169 = tpu.memref_slice %arg6[%run_scoped3A_19, %dma_wait3A_167, %dma_wait3A_168] : memref<3x5x80xi32, #tpu.memory_space<vmem>> -> memref<1x5x80xi32, #tpu.memory_space<vmem>>
      %dma_wait3A_170 = tpu.memref_squeeze %dma_wait3A_169 : memref<1x5x80xi32, #tpu.memory_space<vmem>> -> memref<5x80xi32, #tpu.memory_space<vmem>>
      %dma_wait3A_171 = arith.constant 0 : i32
      %dma_wait3A_172 = tpu.memref_slice %arg4[%run_scoped3A_18, %mul3A_2, %dma_wait3A_171] : memref<2x4000x80xi32, #tpu.memory_space<hbm>> -> memref<1x5x80xi32, #tpu.memory_space<hbm>>
      %dma_wait3A_173 = tpu.memref_squeeze %dma_wait3A_172 : memref<1x5x80xi32, #tpu.memory_space<hbm>> -> memref<5x80xi32, #tpu.memory_space<hbm>>
      tpu.wait_dma2 semaphore(%run_scoped3A_145 : memref<!tpu.dma_semaphore, #tpu.memory_space<semaphore_mem>>) src(%dma_wait3A_173 : memref<5x80xi32, #tpu.memory_space<hbm>>) dst(%dma_wait3A_170 : memref<5x80xi32, #tpu.memory_space<vmem>>)
      tpu.yield
    }) : () -> ()
    %run_scoped3A_20 = arith.constant 1 : i32
    %run_scoped3A_21 = arith.constant 0 : i32
    "tpu.region"() ({
      %run_scoped3A_145 = tpu.sem_alloc : memref<!tpu.dma_semaphore, #tpu.memory_space<semaphore_mem>>
      %dma_start3A_146 = arith.constant 0 : i32
      %dma_start3A_147 = arith.constant 0 : i32
      %dma_start3A_148 = tpu.memref_slice %arg7[%run_scoped3A_21, %dma_start3A_146, %dma_start3A_147] : memref<3x5x80xi32, #tpu.memory_space<vmem>> -> memref<1x5x80xi32, #tpu.memory_space<vmem>>
      %dma_start3A_149 = tpu.memref_squeeze %dma_start3A_148 : memref<1x5x80xi32, #tpu.memory_space<vmem>> -> memref<5x80xi32, #tpu.memory_space<vmem>>
      %dma_start3A_150 = arith.constant 0 : i32
      %dma_start3A_151 = tpu.memref_slice %arg4[%run_scoped3A_20, %mul3A_2, %dma_start3A_150] : memref<2x4000x80xi32, #tpu.memory_space<hbm>> -> memref<1x5x80xi32, #tpu.memory_space<hbm>>
      %dma_start3A_152 = tpu.memref_squeeze %dma_start3A_151 : memref<1x5x80xi32, #tpu.memory_space<hbm>> -> memref<5x80xi32, #tpu.memory_space<hbm>>
      %dma_start3A_153 = arith.constant 0 : i32
      %dma_start3A_154 = arith.constant 0 : i32
      %dma_start3A_155 = tpu.memref_slice %arg7[%run_scoped3A_21, %dma_start3A_153, %dma_start3A_154] : memref<3x5x80xi32, #tpu.memory_space<vmem>> -> memref<1x5x80xi32, #tpu.memory_space<vmem>>
      %dma_start3A_156 = tpu.memref_squeeze %dma_start3A_155 : memref<1x5x80xi32, #tpu.memory_space<vmem>> -> memref<5x80xi32, #tpu.memory_space<vmem>>
      %dma_start3A_157 = arith.constant 0 : i32
      %dma_start3A_158 = tpu.memref_slice %arg4[%run_scoped3A_20, %mul3A_2, %dma_start3A_157] : memref<2x4000x80xi32, #tpu.memory_space<hbm>> -> memref<1x5x80xi32, #tpu.memory_space<hbm>>
      %dma_start3A_159 = tpu.memref_squeeze %dma_start3A_158 : memref<1x5x80xi32, #tpu.memory_space<hbm>> -> memref<5x80xi32, #tpu.memory_space<hbm>>
      tpu.enqueue_dma source(%dma_start3A_159 : memref<5x80xi32, #tpu.memory_space<hbm>>) target(%dma_start3A_156 : memref<5x80xi32, #tpu.memory_space<vmem>>) target_semaphore(%run_scoped3A_145 : memref<!tpu.dma_semaphore, #tpu.memory_space<semaphore_mem>>)
      %dma_wait3A_160 = arith.constant 0 : i32
      %dma_wait3A_161 = arith.constant 0 : i32
      %dma_wait3A_162 = tpu.memref_slice %arg7[%run_scoped3A_21, %dma_wait3A_160, %dma_wait3A_161] : memref<3x5x80xi32, #tpu.memory_space<vmem>> -> memref<1x5x80xi32, #tpu.memory_space<vmem>>
      %dma_wait3A_163 = tpu.memref_squeeze %dma_wait3A_162 : memref<1x5x80xi32, #tpu.memory_space<vmem>> -> memref<5x80xi32, #tpu.memory_space<vmem>>
      %dma_wait3A_164 = arith.constant 0 : i32
      %dma_wait3A_165 = tpu.memref_slice %arg4[%run_scoped3A_20, %mul3A_2, %dma_wait3A_164] : memref<2x4000x80xi32, #tpu.memory_space<hbm>> -> memref<1x5x80xi32, #tpu.memory_space<hbm>>
      %dma_wait3A_166 = tpu.memref_squeeze %dma_wait3A_165 : memref<1x5x80xi32, #tpu.memory_space<hbm>> -> memref<5x80xi32, #tpu.memory_space<hbm>>
      %dma_wait3A_167 = arith.constant 0 : i32
      %dma_wait3A_168 = arith.constant 0 : i32
      %dma_wait3A_169 = tpu.memref_slice %arg7[%run_scoped3A_21, %dma_wait3A_167, %dma_wait3A_168] : memref<3x5x80xi32, #tpu.memory_space<vmem>> -> memref<1x5x80xi32, #tpu.memory_space<vmem>>
      %dma_wait3A_170 = tpu.memref_squeeze %dma_wait3A_169 : memref<1x5x80xi32, #tpu.memory_space<vmem>> -> memref<5x80xi32, #tpu.memory_space<vmem>>
      %dma_wait3A_171 = arith.constant 0 : i32
      %dma_wait3A_172 = tpu.memref_slice %arg4[%run_scoped3A_20, %mul3A_2, %dma_wait3A_171] : memref<2x4000x80xi32, #tpu.memory_space<hbm>> -> memref<1x5x80xi32, #tpu.memory_space<hbm>>
      %dma_wait3A_173 = tpu.memref_squeeze %dma_wait3A_172 : memref<1x5x80xi32, #tpu.memory_space<hbm>> -> memref<5x80xi32, #tpu.memory_space<hbm>>
      tpu.wait_dma2 semaphore(%run_scoped3A_145 : memref<!tpu.dma_semaphore, #tpu.memory_space<semaphore_mem>>) src(%dma_wait3A_173 : memref<5x80xi32, #tpu.memory_space<hbm>>) dst(%dma_wait3A_170 : memref<5x80xi32, #tpu.memory_space<vmem>>)
      tpu.yield
    }) : () -> ()
    %add3A_22 = arith.constant 5 : i32
    %add3A_23 = arith.addi %mul3A_2, %add3A_22 : i32
    %dma_start3A = arith.constant 0 : i32
    %dma_start3A_24 = arith.constant 1 : i32
    %dma_start3A_25 = arith.constant 1 : i32
    %dma_start3A_26 = arith.constant 0 : i32
    %dma_start3A_27 = arith.constant 0 : i32
    %dma_start3A_28 = tpu.memref_slice %arg6[%dma_start3A_24, %dma_start3A_26, %dma_start3A_27] : memref<3x5x80xi32, #tpu.memory_space<vmem>> -> memref<1x5x80xi32, #tpu.memory_space<vmem>>
    %dma_start3A_29 = tpu.memref_squeeze %dma_start3A_28 : memref<1x5x80xi32, #tpu.memory_space<vmem>> -> memref<5x80xi32, #tpu.memory_space<vmem>>
    %dma_start3A_30 = arith.constant 0 : i32
    %dma_start3A_31 = tpu.memref_slice %arg4[%dma_start3A, %add3A_23, %dma_start3A_30] : memref<2x4000x80xi32, #tpu.memory_space<hbm>> -> memref<1x5x80xi32, #tpu.memory_space<hbm>>
    %dma_start3A_32 = tpu.memref_squeeze %dma_start3A_31 : memref<1x5x80xi32, #tpu.memory_space<hbm>> -> memref<5x80xi32, #tpu.memory_space<hbm>>
    %dma_start3A_33 = tpu.memref_slice %arg12[%dma_start3A_25] : memref<3x!tpu.dma_semaphore, #tpu.memory_space<semaphore_mem>> -> memref<1x!tpu.dma_semaphore, #tpu.memory_space<semaphore_mem>>
    %dma_start3A_34 = tpu.memref_squeeze %dma_start3A_33 : memref<1x!tpu.dma_semaphore, #tpu.memory_space<semaphore_mem>> -> memref<!tpu.dma_semaphore, #tpu.memory_space<semaphore_mem>>
    %dma_start3A_35 = arith.constant 0 : i32
    %dma_start3A_36 = arith.constant 0 : i32
    %dma_start3A_37 = tpu.memref_slice %arg6[%dma_start3A_24, %dma_start3A_35, %dma_start3A_36] : memref<3x5x80xi32, #tpu.memory_space<vmem>> -> memref<1x5x80xi32, #tpu.memory_space<vmem>>
    %dma_start3A_38 = tpu.memref_squeeze %dma_start3A_37 : memref<1x5x80xi32, #tpu.memory_space<vmem>> -> memref<5x80xi32, #tpu.memory_space<vmem>>
    %dma_start3A_39 = arith.constant 0 : i32
    %dma_start3A_40 = tpu.memref_slice %arg4[%dma_start3A, %add3A_23, %dma_start3A_39] : memref<2x4000x80xi32, #tpu.memory_space<hbm>> -> memref<1x5x80xi32, #tpu.memory_space<hbm>>
    %dma_start3A_41 = tpu.memref_squeeze %dma_start3A_40 : memref<1x5x80xi32, #tpu.memory_space<hbm>> -> memref<5x80xi32, #tpu.memory_space<hbm>>
    tpu.enqueue_dma source(%dma_start3A_41 : memref<5x80xi32, #tpu.memory_space<hbm>>) target(%dma_start3A_38 : memref<5x80xi32, #tpu.memory_space<vmem>>) target_semaphore(%dma_start3A_34 : memref<!tpu.dma_semaphore, #tpu.memory_space<semaphore_mem>>)
    %add3A_42 = arith.constant 5 : i32
    %add3A_43 = arith.addi %mul3A_2, %add3A_42 : i32
    %dma_start3A_44 = arith.constant 1 : i32
    %dma_start3A_45 = arith.constant 1 : i32
    %dma_start3A_46 = arith.constant 1 : i32
    %dma_start3A_47 = arith.constant 0 : i32
    %dma_start3A_48 = arith.constant 0 : i32
    %dma_start3A_49 = tpu.memref_slice %arg7[%dma_start3A_45, %dma_start3A_47, %dma_start3A_48] : memref<3x5x80xi32, #tpu.memory_space<vmem>> -> memref<1x5x80xi32, #tpu.memory_space<vmem>>
    %dma_start3A_50 = tpu.memref_squeeze %dma_start3A_49 : memref<1x5x80xi32, #tpu.memory_space<vmem>> -> memref<5x80xi32, #tpu.memory_space<vmem>>
    %dma_start3A_51 = arith.constant 0 : i32
    %dma_start3A_52 = tpu.memref_slice %arg4[%dma_start3A_44, %add3A_43, %dma_start3A_51] : memref<2x4000x80xi32, #tpu.memory_space<hbm>> -> memref<1x5x80xi32, #tpu.memory_space<hbm>>
    %dma_start3A_53 = tpu.memref_squeeze %dma_start3A_52 : memref<1x5x80xi32, #tpu.memory_space<hbm>> -> memref<5x80xi32, #tpu.memory_space<hbm>>
    %dma_start3A_54 = tpu.memref_slice %arg12[%dma_start3A_46] : memref<3x!tpu.dma_semaphore, #tpu.memory_space<semaphore_mem>> -> memref<1x!tpu.dma_semaphore, #tpu.memory_space<semaphore_mem>>
    %dma_start3A_55 = tpu.memref_squeeze %dma_start3A_54 : memref<1x!tpu.dma_semaphore, #tpu.memory_space<semaphore_mem>> -> memref<!tpu.dma_semaphore, #tpu.memory_space<semaphore_mem>>
    %dma_start3A_56 = arith.constant 0 : i32
    %dma_start3A_57 = arith.constant 0 : i32
    %dma_start3A_58 = tpu.memref_slice %arg7[%dma_start3A_45, %dma_start3A_56, %dma_start3A_57] : memref<3x5x80xi32, #tpu.memory_space<vmem>> -> memref<1x5x80xi32, #tpu.memory_space<vmem>>
    %dma_start3A_59 = tpu.memref_squeeze %dma_start3A_58 : memref<1x5x80xi32, #tpu.memory_space<vmem>> -> memref<5x80xi32, #tpu.memory_space<vmem>>
    %dma_start3A_60 = arith.constant 0 : i32
    %dma_start3A_61 = tpu.memref_slice %arg4[%dma_start3A_44, %add3A_43, %dma_start3A_60] : memref<2x4000x80xi32, #tpu.memory_space<hbm>> -> memref<1x5x80xi32, #tpu.memory_space<hbm>>
    %dma_start3A_62 = tpu.memref_squeeze %dma_start3A_61 : memref<1x5x80xi32, #tpu.memory_space<hbm>> -> memref<5x80xi32, #tpu.memory_space<hbm>>
    tpu.enqueue_dma source(%dma_start3A_62 : memref<5x80xi32, #tpu.memory_space<hbm>>) target(%dma_start3A_59 : memref<5x80xi32, #tpu.memory_space<vmem>>) target_semaphore(%dma_start3A_55 : memref<!tpu.dma_semaphore, #tpu.memory_space<semaphore_mem>>)
    %dma_start3A_63 = arith.constant 0 : i32
    %dma_start3A_64 = arith.constant 0 : i32
    %dma_start3A_65 = arith.constant 0 : i32
    %dma_start3A_66 = arith.constant 0 : i32
    %dma_start3A_67 = arith.constant 0 : i32
    %dma_start3A_68 = arith.constant 0 : i32
    %dma_start3A_69 = tpu.memref_slice %arg10[%dma_start3A_65, %dma_start3A_67, %dma_start3A_68] : memref<3x80x144xf32, #tpu.memory_space<vmem>> -> memref<1x80x144xf32, #tpu.memory_space<vmem>>
    %dma_start3A_70 = tpu.memref_squeeze %dma_start3A_69 : memref<1x80x144xf32, #tpu.memory_space<vmem>> -> memref<80x144xf32, #tpu.memory_space<vmem>>
    %dma_start3A_71 = arith.constant 0 : i32
    %dma_start3A_72 = tpu.memref_slice %arg6[%dma_start3A_63, %dma_start3A_64, %dma_start3A_71] : memref<3x5x80xi32, #tpu.memory_space<vmem>> -> memref<1x1x80xi32, #tpu.memory_space<vmem>>
    %dma_start3A_73 = tpu.memref_squeeze %dma_start3A_72 : memref<1x1x80xi32, #tpu.memory_space<vmem>> -> memref<80xi32, #tpu.memory_space<vmem>>
    %dma_start3A_74 = arith.constant 0 : i32
    %dma_start3A_75 = arith.constant 0 : i32
    %dma_start3A_76 = tpu.memref_slice %arg2[%dma_start3A_74, %dma_start3A_75] : memref<10000x144xf32, #tpu.memory_space<hbm>> -> memref<10000x144xf32, #tpu.memory_space<hbm>>
    %dma_start3A_77 = tpu.memref_slice %arg13[%dma_start3A_66] : memref<3x!tpu.dma_semaphore, #tpu.memory_space<semaphore_mem>> -> memref<1x!tpu.dma_semaphore, #tpu.memory_space<semaphore_mem>>
    %dma_start3A_78 = tpu.memref_squeeze %dma_start3A_77 : memref<1x!tpu.dma_semaphore, #tpu.memory_space<semaphore_mem>> -> memref<!tpu.dma_semaphore, #tpu.memory_space<semaphore_mem>>
    tpu.enqueue_indirect_dma source(%dma_start3A_76 : memref<10000x144xf32, #tpu.memory_space<hbm>>) target(%dma_start3A_70 : memref<80x144xf32, #tpu.memory_space<vmem>>) offsets(%dma_start3A_73 : memref<80xi32, #tpu.memory_space<vmem>>) semaphore(%dma_start3A_78 : memref<!tpu.dma_semaphore, #tpu.memory_space<semaphore_mem>>)
    %dma_start3A_79 = arith.constant 0 : i32
    %dma_start3A_80 = arith.constant 0 : i32
    %dma_start3A_81 = arith.constant 0 : i32
    %dma_start3A_82 = arith.constant 0 : i32
    %dma_start3A_83 = arith.constant 0 : i32
    %dma_start3A_84 = tpu.memref_slice %arg8[%dma_start3A_81, %dma_start3A_83] : memref<3x80xf32, #tpu.memory_space<vmem>> -> memref<1x80xf32, #tpu.memory_space<vmem>>
    %dma_start3A_85 = tpu.memref_squeeze %dma_start3A_84 : memref<1x80xf32, #tpu.memory_space<vmem>> -> memref<80xf32, #tpu.memory_space<vmem>>
    %dma_start3A_86 = arith.constant 0 : i32
    %dma_start3A_87 = tpu.memref_slice %arg7[%dma_start3A_79, %dma_start3A_80, %dma_start3A_86] : memref<3x5x80xi32, #tpu.memory_space<vmem>> -> memref<1x1x80xi32, #tpu.memory_space<vmem>>
    %dma_start3A_88 = tpu.memref_squeeze %dma_start3A_87 : memref<1x1x80xi32, #tpu.memory_space<vmem>> -> memref<80xi32, #tpu.memory_space<vmem>>
    %dma_start3A_89 = arith.constant 0 : i32
    %dma_start3A_90 = tpu.memref_slice %arg3[%dma_start3A_89] : memref<10000xf32, #tpu.memory_space<hbm>> -> memref<10000xf32, #tpu.memory_space<hbm>>
    %dma_start3A_91 = tpu.memref_slice %arg13[%dma_start3A_82] : memref<3x!tpu.dma_semaphore, #tpu.memory_space<semaphore_mem>> -> memref<1x!tpu.dma_semaphore, #tpu.memory_space<semaphore_mem>>
    %dma_start3A_92 = tpu.memref_squeeze %dma_start3A_91 : memref<1x!tpu.dma_semaphore, #tpu.memory_space<semaphore_mem>> -> memref<!tpu.dma_semaphore, #tpu.memory_space<semaphore_mem>>
    tpu.enqueue_indirect_dma source(%dma_start3A_90 : memref<10000xf32, #tpu.memory_space<hbm>>) target(%dma_start3A_85 : memref<80xf32, #tpu.memory_space<vmem>>) offsets(%dma_start3A_88 : memref<80xi32, #tpu.memory_space<vmem>>) semaphore(%dma_start3A_92 : memref<!tpu.dma_semaphore, #tpu.memory_space<semaphore_mem>>)
    %dma_start3A_93 = arith.constant 0 : i32
    %dma_start3A_94 = arith.constant 1 : i32
    %dma_start3A_95 = arith.constant 1 : i32
    %dma_start3A_96 = arith.constant 1 : i32
    %dma_start3A_97 = arith.constant 0 : i32
    %dma_start3A_98 = arith.constant 0 : i32
    %dma_start3A_99 = tpu.memref_slice %arg10[%dma_start3A_95, %dma_start3A_97, %dma_start3A_98] : memref<3x80x144xf32, #tpu.memory_space<vmem>> -> memref<1x80x144xf32, #tpu.memory_space<vmem>>
    %dma_start3A_100 = tpu.memref_squeeze %dma_start3A_99 : memref<1x80x144xf32, #tpu.memory_space<vmem>> -> memref<80x144xf32, #tpu.memory_space<vmem>>
    %dma_start3A_101 = arith.constant 0 : i32
    %dma_start3A_102 = tpu.memref_slice %arg6[%dma_start3A_93, %dma_start3A_94, %dma_start3A_101] : memref<3x5x80xi32, #tpu.memory_space<vmem>> -> memref<1x1x80xi32, #tpu.memory_space<vmem>>
    %dma_start3A_103 = tpu.memref_squeeze %dma_start3A_102 : memref<1x1x80xi32, #tpu.memory_space<vmem>> -> memref<80xi32, #tpu.memory_space<vmem>>
    %dma_start3A_104 = arith.constant 0 : i32
    %dma_start3A_105 = arith.constant 0 : i32
    %dma_start3A_106 = tpu.memref_slice %arg2[%dma_start3A_104, %dma_start3A_105] : memref<10000x144xf32, #tpu.memory_space<hbm>> -> memref<10000x144xf32, #tpu.memory_space<hbm>>
    %dma_start3A_107 = tpu.memref_slice %arg13[%dma_start3A_96] : memref<3x!tpu.dma_semaphore, #tpu.memory_space<semaphore_mem>> -> memref<1x!tpu.dma_semaphore, #tpu.memory_space<semaphore_mem>>
    %dma_start3A_108 = tpu.memref_squeeze %dma_start3A_107 : memref<1x!tpu.dma_semaphore, #tpu.memory_space<semaphore_mem>> -> memref<!tpu.dma_semaphore, #tpu.memory_space<semaphore_mem>>
    tpu.enqueue_indirect_dma source(%dma_start3A_106 : memref<10000x144xf32, #tpu.memory_space<hbm>>) target(%dma_start3A_100 : memref<80x144xf32, #tpu.memory_space<vmem>>) offsets(%dma_start3A_103 : memref<80xi32, #tpu.memory_space<vmem>>) semaphore(%dma_start3A_108 : memref<!tpu.dma_semaphore, #tpu.memory_space<semaphore_mem>>)
    %dma_start3A_109 = arith.constant 0 : i32
    %dma_start3A_110 = arith.constant 1 : i32
    %dma_start3A_111 = arith.constant 1 : i32
    %dma_start3A_112 = arith.constant 1 : i32
    %dma_start3A_113 = arith.constant 0 : i32
    %dma_start3A_114 = tpu.memref_slice %arg8[%dma_start3A_111, %dma_start3A_113] : memref<3x80xf32, #tpu.memory_space<vmem>> -> memref<1x80xf32, #tpu.memory_space<vmem>>
    %dma_start3A_115 = tpu.memref_squeeze %dma_start3A_114 : memref<1x80xf32, #tpu.memory_space<vmem>> -> memref<80xf32, #tpu.memory_space<vmem>>
    %dma_start3A_116 = arith.constant 0 : i32
    %dma_start3A_117 = tpu.memref_slice %arg7[%dma_start3A_109, %dma_start3A_110, %dma_start3A_116] : memref<3x5x80xi32, #tpu.memory_space<vmem>> -> memref<1x1x80xi32, #tpu.memory_space<vmem>>
    %dma_start3A_118 = tpu.memref_squeeze %dma_start3A_117 : memref<1x1x80xi32, #tpu.memory_space<vmem>> -> memref<80xi32, #tpu.memory_space<vmem>>
    %dma_start3A_119 = arith.constant 0 : i32
    %dma_start3A_120 = tpu.memref_slice %arg3[%dma_start3A_119] : memref<10000xf32, #tpu.memory_space<hbm>> -> memref<10000xf32, #tpu.memory_space<hbm>>
    %dma_start3A_121 = tpu.memref_slice %arg13[%dma_start3A_112] : memref<3x!tpu.dma_semaphore, #tpu.memory_space<semaphore_mem>> -> memref<1x!tpu.dma_semaphore, #tpu.memory_space<semaphore_mem>>
    %dma_start3A_122 = tpu.memref_squeeze %dma_start3A_121 : memref<1x!tpu.dma_semaphore, #tpu.memory_space<semaphore_mem>> -> memref<!tpu.dma_semaphore, #tpu.memory_space<semaphore_mem>>
    tpu.enqueue_indirect_dma source(%dma_start3A_120 : memref<10000xf32, #tpu.memory_space<hbm>>) target(%dma_start3A_115 : memref<80xf32, #tpu.memory_space<vmem>>) offsets(%dma_start3A_118 : memref<80xi32, #tpu.memory_space<vmem>>) semaphore(%dma_start3A_122 : memref<!tpu.dma_semaphore, #tpu.memory_space<semaphore_mem>>)
    %scan3A_123 = arith.constant 0 : i32
    %scan3A_124 = arith.constant 0 : i32
    %scan3A_125 = arith.constant 125 : i32
    %scan3A_126 = arith.addi %scan3A_124, %scan3A_125 : i32
    %scan3A_127 = arith.constant 1 : i32
    scf.for %scan3A_145 = %scan3A_124 to %scan3A_126 step %scan3A_127  : i32 {
      %rem3A = arith.constant 3 : i32
      %rem3A_146 = arith.remsi %scan3A_145, %rem3A : i32
      %div3A = arith.constant 5 : i32
      %div3A_147 = arith.divsi %scan3A_145, %div3A : i32
      %rem3A_148 = arith.constant 3 : i32
      %rem3A_149 = arith.remsi %div3A_147, %rem3A_148 : i32
      %rem3A_150 = arith.constant 5 : i32
      %rem3A_151 = arith.remsi %scan3A_145, %rem3A_150 : i32
      %add3A_152 = arith.constant 2 : i32
      %add3A_153 = arith.addi %scan3A_145, %add3A_152 : i32
      %rem3A_154 = arith.constant 3 : i32
      %rem3A_155 = arith.remsi %add3A_153, %rem3A_154 : i32
      %div3A_156 = arith.constant 5 : i32
      %div3A_157 = arith.divsi %add3A_153, %div3A_156 : i32
      %rem3A_158 = arith.constant 3 : i32
      %rem3A_159 = arith.remsi %div3A_157, %rem3A_158 : i32
      %rem3A_160 = arith.constant 5 : i32
      %rem3A_161 = arith.remsi %add3A_153, %rem3A_160 : i32
      %dma_wait3A_162 = arith.constant 0 : i32
      %dma_wait3A_163 = arith.constant 0 : i32
      %dma_wait3A_164 = tpu.memref_slice %arg10[%rem3A_146, %dma_wait3A_162, %dma_wait3A_163] : memref<3x80x144xf32, #tpu.memory_space<vmem>> -> memref<1x80x144xf32, #tpu.memory_space<vmem>>
      %dma_wait3A_165 = tpu.memref_squeeze %dma_wait3A_164 : memref<1x80x144xf32, #tpu.memory_space<vmem>> -> memref<80x144xf32, #tpu.memory_space<vmem>>
      %dma_wait3A_166 = arith.constant 0 : i32
      %dma_wait3A_167 = tpu.memref_slice %arg6[%rem3A_149, %rem3A_151, %dma_wait3A_166] : memref<3x5x80xi32, #tpu.memory_space<vmem>> -> memref<1x1x80xi32, #tpu.memory_space<vmem>>
      %dma_wait3A_168 = tpu.memref_squeeze %dma_wait3A_167 : memref<1x1x80xi32, #tpu.memory_space<vmem>> -> memref<80xi32, #tpu.memory_space<vmem>>
      %dma_wait3A_169 = arith.constant 0 : i32
      %dma_wait3A_170 = arith.constant 0 : i32
      %dma_wait3A_171 = tpu.memref_slice %arg2[%dma_wait3A_169, %dma_wait3A_170] : memref<10000x144xf32, #tpu.memory_space<hbm>> -> memref<10000x144xf32, #tpu.memory_space<hbm>>
      %dma_wait3A_172 = tpu.memref_slice %arg13[%rem3A_146] : memref<3x!tpu.dma_semaphore, #tpu.memory_space<semaphore_mem>> -> memref<1x!tpu.dma_semaphore, #tpu.memory_space<semaphore_mem>>
      %dma_wait3A_173 = tpu.memref_squeeze %dma_wait3A_172 : memref<1x!tpu.dma_semaphore, #tpu.memory_space<semaphore_mem>> -> memref<!tpu.dma_semaphore, #tpu.memory_space<semaphore_mem>>
      tpu.wait_indirect_dma semaphore(%dma_wait3A_173 : memref<!tpu.dma_semaphore, #tpu.memory_space<semaphore_mem>>) src(%dma_wait3A_171 : memref<10000x144xf32, #tpu.memory_space<hbm>>) dst(%dma_wait3A_165 : memref<80x144xf32, #tpu.memory_space<vmem>>)
      %dma_wait3A_174 = arith.constant 0 : i32
      %dma_wait3A_175 = tpu.memref_slice %arg8[%rem3A_146, %dma_wait3A_174] : memref<3x80xf32, #tpu.memory_space<vmem>> -> memref<1x80xf32, #tpu.memory_space<vmem>>
      %dma_wait3A_176 = tpu.memref_squeeze %dma_wait3A_175 : memref<1x80xf32, #tpu.memory_space<vmem>> -> memref<80xf32, #tpu.memory_space<vmem>>
      %dma_wait3A_177 = arith.constant 0 : i32
      %dma_wait3A_178 = tpu.memref_slice %arg7[%rem3A_149, %rem3A_151, %dma_wait3A_177] : memref<3x5x80xi32, #tpu.memory_space<vmem>> -> memref<1x1x80xi32, #tpu.memory_space<vmem>>
      %dma_wait3A_179 = tpu.memref_squeeze %dma_wait3A_178 : memref<1x1x80xi32, #tpu.memory_space<vmem>> -> memref<80xi32, #tpu.memory_space<vmem>>
      %dma_wait3A_180 = arith.constant 0 : i32
      %dma_wait3A_181 = tpu.memref_slice %arg3[%dma_wait3A_180] : memref<10000xf32, #tpu.memory_space<hbm>> -> memref<10000xf32, #tpu.memory_space<hbm>>
      %dma_wait3A_182 = tpu.memref_slice %arg13[%rem3A_146] : memref<3x!tpu.dma_semaphore, #tpu.memory_space<semaphore_mem>> -> memref<1x!tpu.dma_semaphore, #tpu.memory_space<semaphore_mem>>
      %dma_wait3A_183 = tpu.memref_squeeze %dma_wait3A_182 : memref<1x!tpu.dma_semaphore, #tpu.memory_space<semaphore_mem>> -> memref<!tpu.dma_semaphore, #tpu.memory_space<semaphore_mem>>
      tpu.wait_indirect_dma semaphore(%dma_wait3A_183 : memref<!tpu.dma_semaphore, #tpu.memory_space<semaphore_mem>>) src(%dma_wait3A_181 : memref<10000xf32, #tpu.memory_space<hbm>>) dst(%dma_wait3A_176 : memref<80xf32, #tpu.memory_space<vmem>>)
      %ge3A = arith.constant 1 : i32
      %ge3A_184 = arith.cmpi sge, %scan3A_145, %ge3A : i32
      %convert_element_type3A = arith.extui %ge3A_184 : i1 to i32
      %cond3A = arith.constant 0 : i32
      %cond3A_185 = arith.cmpi ne, %convert_element_type3A, %cond3A : i32
      scf.if %cond3A_185 {
        %sub3A = arith.constant 1 : i32
        %sub3A_213 = arith.subi %scan3A_145, %sub3A : i32
        %rem3A_214 = arith.constant 3 : i32
        %rem3A_215 = arith.remsi %sub3A_213, %rem3A_214 : i32
        %div3A_216 = arith.constant 5 : i32
        %div3A_217 = arith.divsi %sub3A_213, %div3A_216 : i32
        %rem3A_218 = arith.constant 3 : i32
        %rem3A_219 = arith.remsi %div3A_217, %rem3A_218 : i32
        %rem3A_220 = arith.constant 5 : i32
        %rem3A_221 = arith.remsi %sub3A_213, %rem3A_220 : i32
        %rem3A_222 = arith.constant 3 : i32
        %rem3A_223 = arith.remsi %sub3A_213, %rem3A_222 : i32
        %dma_wait3A_224 = arith.constant 0 : i32
        %dma_wait3A_225 = arith.constant 0 : i32
        %dma_wait3A_226 = tpu.memref_slice %arg10[%rem3A_215, %dma_wait3A_224, %dma_wait3A_225] : memref<3x80x144xf32, #tpu.memory_space<vmem>> -> memref<1x80x144xf32, #tpu.memory_space<vmem>>
        %dma_wait3A_227 = tpu.memref_squeeze %dma_wait3A_226 : memref<1x80x144xf32, #tpu.memory_space<vmem>> -> memref<80x144xf32, #tpu.memory_space<vmem>>
        %dma_wait3A_228 = arith.constant 0 : i32
        %dma_wait3A_229 = tpu.memref_slice %arg7[%rem3A_219, %rem3A_221, %dma_wait3A_228] : memref<3x5x80xi32, #tpu.memory_space<vmem>> -> memref<1x1x80xi32, #tpu.memory_space<vmem>>
        %dma_wait3A_230 = tpu.memref_squeeze %dma_wait3A_229 : memref<1x1x80xi32, #tpu.memory_space<vmem>> -> memref<80xi32, #tpu.memory_space<vmem>>
        %dma_wait3A_231 = arith.constant 0 : i32
        %dma_wait3A_232 = arith.constant 0 : i32
        %dma_wait3A_233 = tpu.memref_slice %arg11[%dma_wait3A_231, %dma_wait3A_232] : memref<10000x144xf32, #tpu.memory_space<vmem_shared>> -> memref<10000x144xf32, #tpu.memory_space<vmem_shared>>
        %dma_wait3A_234 = tpu.memref_slice %arg14[%rem3A_223] : memref<3x!tpu.dma_semaphore, #tpu.memory_space<semaphore_mem>> -> memref<1x!tpu.dma_semaphore, #tpu.memory_space<semaphore_mem>>
        %dma_wait3A_235 = tpu.memref_squeeze %dma_wait3A_234 : memref<1x!tpu.dma_semaphore, #tpu.memory_space<semaphore_mem>> -> memref<!tpu.dma_semaphore, #tpu.memory_space<semaphore_mem>>
        tpu.wait_indirect_dma semaphore(%dma_wait3A_235 : memref<!tpu.dma_semaphore, #tpu.memory_space<semaphore_mem>>) src(%dma_wait3A_227 : memref<80x144xf32, #tpu.memory_space<vmem>>) dst(%dma_wait3A_233 : memref<10000x144xf32, #tpu.memory_space<vmem_shared>>)
      } else {
      }
      %eq3A = arith.constant 0 : i32
      %eq3A_186 = arith.cmpi eq, %rem3A_161, %eq3A : i32
      %lt3A = arith.constant 125 : i32
      %lt3A_187 = arith.cmpi slt, %add3A_153, %lt3A : i32
      %and3A = arith.andi %eq3A_186, %lt3A_187 : i1
      %convert_element_type3A_188 = arith.extui %and3A : i1 to i32
      %cond3A_189 = arith.constant 0 : i32
      %cond3A_190 = arith.cmpi ne, %convert_element_type3A_188, %cond3A_189 : i32
      scf.if %cond3A_190 {
        %add3A_213 = arith.addi %mul3A_2, %add3A_153 : i32
        %dma_wait3A_214 = arith.constant 0 : i32
        %dma_wait3A_215 = arith.constant 0 : i32
        %dma_wait3A_216 = arith.constant 0 : i32
        %dma_wait3A_217 = tpu.memref_slice %arg6[%rem3A_159, %dma_wait3A_215, %dma_wait3A_216] : memref<3x5x80xi32, #tpu.memory_space<vmem>> -> memref<1x5x80xi32, #tpu.memory_space<vmem>>
        %dma_wait3A_218 = tpu.memref_squeeze %dma_wait3A_217 : memref<1x5x80xi32, #tpu.memory_space<vmem>> -> memref<5x80xi32, #tpu.memory_space<vmem>>
        %dma_wait3A_219 = arith.constant 0 : i32
        %dma_wait3A_220 = tpu.memref_slice %arg4[%dma_wait3A_214, %add3A_213, %dma_wait3A_219] : memref<2x4000x80xi32, #tpu.memory_space<hbm>> -> memref<1x5x80xi32, #tpu.memory_space<hbm>>
        %dma_wait3A_221 = tpu.memref_squeeze %dma_wait3A_220 : memref<1x5x80xi32, #tpu.memory_space<hbm>> -> memref<5x80xi32, #tpu.memory_space<hbm>>
        %dma_wait3A_222 = tpu.memref_slice %arg12[%rem3A_159] : memref<3x!tpu.dma_semaphore, #tpu.memory_space<semaphore_mem>> -> memref<1x!tpu.dma_semaphore, #tpu.memory_space<semaphore_mem>>
        %dma_wait3A_223 = tpu.memref_squeeze %dma_wait3A_222 : memref<1x!tpu.dma_semaphore, #tpu.memory_space<semaphore_mem>> -> memref<!tpu.dma_semaphore, #tpu.memory_space<semaphore_mem>>
        %dma_wait3A_224 = arith.constant 0 : i32
        %dma_wait3A_225 = arith.constant 0 : i32
        %dma_wait3A_226 = tpu.memref_slice %arg6[%rem3A_159, %dma_wait3A_224, %dma_wait3A_225] : memref<3x5x80xi32, #tpu.memory_space<vmem>> -> memref<1x5x80xi32, #tpu.memory_space<vmem>>
        %dma_wait3A_227 = tpu.memref_squeeze %dma_wait3A_226 : memref<1x5x80xi32, #tpu.memory_space<vmem>> -> memref<5x80xi32, #tpu.memory_space<vmem>>
        %dma_wait3A_228 = arith.constant 0 : i32
        %dma_wait3A_229 = tpu.memref_slice %arg4[%dma_wait3A_214, %add3A_213, %dma_wait3A_228] : memref<2x4000x80xi32, #tpu.memory_space<hbm>> -> memref<1x5x80xi32, #tpu.memory_space<hbm>>
        %dma_wait3A_230 = tpu.memref_squeeze %dma_wait3A_229 : memref<1x5x80xi32, #tpu.memory_space<hbm>> -> memref<5x80xi32, #tpu.memory_space<hbm>>
        tpu.wait_dma2 semaphore(%dma_wait3A_223 : memref<!tpu.dma_semaphore, #tpu.memory_space<semaphore_mem>>) src(%dma_wait3A_230 : memref<5x80xi32, #tpu.memory_space<hbm>>) dst(%dma_wait3A_227 : memref<5x80xi32, #tpu.memory_space<vmem>>)
        %dma_wait3A_231 = arith.constant 1 : i32
        %dma_wait3A_232 = arith.constant 0 : i32
        %dma_wait3A_233 = arith.constant 0 : i32
        %dma_wait3A_234 = tpu.memref_slice %arg7[%rem3A_159, %dma_wait3A_232, %dma_wait3A_233] : memref<3x5x80xi32, #tpu.memory_space<vmem>> -> memref<1x5x80xi32, #tpu.memory_space<vmem>>
        %dma_wait3A_235 = tpu.memref_squeeze %dma_wait3A_234 : memref<1x5x80xi32, #tpu.memory_space<vmem>> -> memref<5x80xi32, #tpu.memory_space<vmem>>
        %dma_wait3A_236 = arith.constant 0 : i32
        %dma_wait3A_237 = tpu.memref_slice %arg4[%dma_wait3A_231, %add3A_213, %dma_wait3A_236] : memref<2x4000x80xi32, #tpu.memory_space<hbm>> -> memref<1x5x80xi32, #tpu.memory_space<hbm>>
        %dma_wait3A_238 = tpu.memref_squeeze %dma_wait3A_237 : memref<1x5x80xi32, #tpu.memory_space<hbm>> -> memref<5x80xi32, #tpu.memory_space<hbm>>
        %dma_wait3A_239 = tpu.memref_slice %arg12[%rem3A_159] : memref<3x!tpu.dma_semaphore, #tpu.memory_space<semaphore_mem>> -> memref<1x!tpu.dma_semaphore, #tpu.memory_space<semaphore_mem>>
        %dma_wait3A_240 = tpu.memref_squeeze %dma_wait3A_239 : memref<1x!tpu.dma_semaphore, #tpu.memory_space<semaphore_mem>> -> memref<!tpu.dma_semaphore, #tpu.memory_space<semaphore_mem>>
        %dma_wait3A_241 = arith.constant 0 : i32
        %dma_wait3A_242 = arith.constant 0 : i32
        %dma_wait3A_243 = tpu.memref_slice %arg7[%rem3A_159, %dma_wait3A_241, %dma_wait3A_242] : memref<3x5x80xi32, #tpu.memory_space<vmem>> -> memref<1x5x80xi32, #tpu.memory_space<vmem>>
        %dma_wait3A_244 = tpu.memref_squeeze %dma_wait3A_243 : memref<1x5x80xi32, #tpu.memory_space<vmem>> -> memref<5x80xi32, #tpu.memory_space<vmem>>
        %dma_wait3A_245 = arith.constant 0 : i32
        %dma_wait3A_246 = tpu.memref_slice %arg4[%dma_wait3A_231, %add3A_213, %dma_wait3A_245] : memref<2x4000x80xi32, #tpu.memory_space<hbm>> -> memref<1x5x80xi32, #tpu.memory_space<hbm>>
        %dma_wait3A_247 = tpu.memref_squeeze %dma_wait3A_246 : memref<1x5x80xi32, #tpu.memory_space<hbm>> -> memref<5x80xi32, #tpu.memory_space<hbm>>
        tpu.wait_dma2 semaphore(%dma_wait3A_240 : memref<!tpu.dma_semaphore, #tpu.memory_space<semaphore_mem>>) src(%dma_wait3A_247 : memref<5x80xi32, #tpu.memory_space<hbm>>) dst(%dma_wait3A_244 : memref<5x80xi32, #tpu.memory_space<vmem>>)
        %add3A_248 = arith.constant 5 : i32
        %add3A_249 = arith.addi %add3A_153, %add3A_248 : i32
        %lt3A_250 = arith.constant 125 : i32
        %lt3A_251 = arith.cmpi slt, %add3A_249, %lt3A_250 : i32
        %convert_element_type3A_252 = arith.extui %lt3A_251 : i1 to i32
        %cond3A_253 = arith.constant 0 : i32
        %cond3A_254 = arith.cmpi ne, %convert_element_type3A_252, %cond3A_253 : i32
        scf.if %cond3A_254 {
          %add3A_255 = arith.constant 5 : i32
          %add3A_256 = arith.addi %add3A_213, %add3A_255 : i32
          %add3A_257 = arith.constant 1 : i32
          %add3A_258 = arith.addi %rem3A_159, %add3A_257 : i32
          %rem3A_259 = arith.constant 3 : i32
          %rem3A_260 = arith.remsi %add3A_258, %rem3A_259 : i32
          %dma_start3A_261 = arith.constant 0 : i32
          %dma_start3A_262 = arith.constant 0 : i32
          %dma_start3A_263 = arith.constant 0 : i32
          %dma_start3A_264 = tpu.memref_slice %arg6[%rem3A_260, %dma_start3A_262, %dma_start3A_263] : memref<3x5x80xi32, #tpu.memory_space<vmem>> -> memref<1x5x80xi32, #tpu.memory_space<vmem>>
          %dma_start3A_265 = tpu.memref_squeeze %dma_start3A_264 : memref<1x5x80xi32, #tpu.memory_space<vmem>> -> memref<5x80xi32, #tpu.memory_space<vmem>>
          %dma_start3A_266 = arith.constant 0 : i32
          %dma_start3A_267 = tpu.memref_slice %arg4[%dma_start3A_261, %add3A_256, %dma_start3A_266] : memref<2x4000x80xi32, #tpu.memory_space<hbm>> -> memref<1x5x80xi32, #tpu.memory_space<hbm>>
          %dma_start3A_268 = tpu.memref_squeeze %dma_start3A_267 : memref<1x5x80xi32, #tpu.memory_space<hbm>> -> memref<5x80xi32, #tpu.memory_space<hbm>>
          %dma_start3A_269 = tpu.memref_slice %arg12[%rem3A_260] : memref<3x!tpu.dma_semaphore, #tpu.memory_space<semaphore_mem>> -> memref<1x!tpu.dma_semaphore, #tpu.memory_space<semaphore_mem>>
          %dma_start3A_270 = tpu.memref_squeeze %dma_start3A_269 : memref<1x!tpu.dma_semaphore, #tpu.memory_space<semaphore_mem>> -> memref<!tpu.dma_semaphore, #tpu.memory_space<semaphore_mem>>
          %dma_start3A_271 = arith.constant 0 : i32
          %dma_start3A_272 = arith.constant 0 : i32
          %dma_start3A_273 = tpu.memref_slice %arg6[%rem3A_260, %dma_start3A_271, %dma_start3A_272] : memref<3x5x80xi32, #tpu.memory_space<vmem>> -> memref<1x5x80xi32, #tpu.memory_space<vmem>>
          %dma_start3A_274 = tpu.memref_squeeze %dma_start3A_273 : memref<1x5x80xi32, #tpu.memory_space<vmem>> -> memref<5x80xi32, #tpu.memory_space<vmem>>
          %dma_start3A_275 = arith.constant 0 : i32
          %dma_start3A_276 = tpu.memref_slice %arg4[%dma_start3A_261, %add3A_256, %dma_start3A_275] : memref<2x4000x80xi32, #tpu.memory_space<hbm>> -> memref<1x5x80xi32, #tpu.memory_space<hbm>>
          %dma_start3A_277 = tpu.memref_squeeze %dma_start3A_276 : memref<1x5x80xi32, #tpu.memory_space<hbm>> -> memref<5x80xi32, #tpu.memory_space<hbm>>
          tpu.enqueue_dma source(%dma_start3A_277 : memref<5x80xi32, #tpu.memory_space<hbm>>) target(%dma_start3A_274 : memref<5x80xi32, #tpu.memory_space<vmem>>) target_semaphore(%dma_start3A_270 : memref<!tpu.dma_semaphore, #tpu.memory_space<semaphore_mem>>)
          %dma_start3A_278 = arith.constant 1 : i32
          %dma_start3A_279 = arith.constant 0 : i32
          %dma_start3A_280 = arith.constant 0 : i32
          %dma_start3A_281 = tpu.memref_slice %arg7[%rem3A_260, %dma_start3A_279, %dma_start3A_280] : memref<3x5x80xi32, #tpu.memory_space<vmem>> -> memref<1x5x80xi32, #tpu.memory_space<vmem>>
          %dma_start3A_282 = tpu.memref_squeeze %dma_start3A_281 : memref<1x5x80xi32, #tpu.memory_space<vmem>> -> memref<5x80xi32, #tpu.memory_space<vmem>>
          %dma_start3A_283 = arith.constant 0 : i32
          %dma_start3A_284 = tpu.memref_slice %arg4[%dma_start3A_278, %add3A_256, %dma_start3A_283] : memref<2x4000x80xi32, #tpu.memory_space<hbm>> -> memref<1x5x80xi32, #tpu.memory_space<hbm>>
          %dma_start3A_285 = tpu.memref_squeeze %dma_start3A_284 : memref<1x5x80xi32, #tpu.memory_space<hbm>> -> memref<5x80xi32, #tpu.memory_space<hbm>>
          %dma_start3A_286 = tpu.memref_slice %arg12[%rem3A_260] : memref<3x!tpu.dma_semaphore, #tpu.memory_space<semaphore_mem>> -> memref<1x!tpu.dma_semaphore, #tpu.memory_space<semaphore_mem>>
          %dma_start3A_287 = tpu.memref_squeeze %dma_start3A_286 : memref<1x!tpu.dma_semaphore, #tpu.memory_space<semaphore_mem>> -> memref<!tpu.dma_semaphore, #tpu.memory_space<semaphore_mem>>
          %dma_start3A_288 = arith.constant 0 : i32
          %dma_start3A_289 = arith.constant 0 : i32
          %dma_start3A_290 = tpu.memref_slice %arg7[%rem3A_260, %dma_start3A_288, %dma_start3A_289] : memref<3x5x80xi32, #tpu.memory_space<vmem>> -> memref<1x5x80xi32, #tpu.memory_space<vmem>>
          %dma_start3A_291 = tpu.memref_squeeze %dma_start3A_290 : memref<1x5x80xi32, #tpu.memory_space<vmem>> -> memref<5x80xi32, #tpu.memory_space<vmem>>
          %dma_start3A_292 = arith.constant 0 : i32
          %dma_start3A_293 = tpu.memref_slice %arg4[%dma_start3A_278, %add3A_256, %dma_start3A_292] : memref<2x4000x80xi32, #tpu.memory_space<hbm>> -> memref<1x5x80xi32, #tpu.memory_space<hbm>>
          %dma_start3A_294 = tpu.memref_squeeze %dma_start3A_293 : memref<1x5x80xi32, #tpu.memory_space<hbm>> -> memref<5x80xi32, #tpu.memory_space<hbm>>
          tpu.enqueue_dma source(%dma_start3A_294 : memref<5x80xi32, #tpu.memory_space<hbm>>) target(%dma_start3A_291 : memref<5x80xi32, #tpu.memory_space<vmem>>) target_semaphore(%dma_start3A_287 : memref<!tpu.dma_semaphore, #tpu.memory_space<semaphore_mem>>)
        } else {
        }
      } else {
      }
      %lt3A_191 = arith.constant 125 : i32
      %lt3A_192 = arith.cmpi slt, %add3A_153, %lt3A_191 : i32
      %convert_element_type3A_193 = arith.extui %lt3A_192 : i1 to i32
      %cond3A_194 = arith.constant 0 : i32
      %cond3A_195 = arith.cmpi ne, %convert_element_type3A_193, %cond3A_194 : i32
      scf.if %cond3A_195 {
        %dma_start3A_213 = arith.constant 0 : i32
        %dma_start3A_214 = arith.constant 0 : i32
        %dma_start3A_215 = tpu.memref_slice %arg10[%rem3A_155, %dma_start3A_213, %dma_start3A_214] : memref<3x80x144xf32, #tpu.memory_space<vmem>> -> memref<1x80x144xf32, #tpu.memory_space<vmem>>
        %dma_start3A_216 = tpu.memref_squeeze %dma_start3A_215 : memref<1x80x144xf32, #tpu.memory_space<vmem>> -> memref<80x144xf32, #tpu.memory_space<vmem>>
        %dma_start3A_217 = arith.constant 0 : i32
        %dma_start3A_218 = tpu.memref_slice %arg6[%rem3A_159, %rem3A_161, %dma_start3A_217] : memref<3x5x80xi32, #tpu.memory_space<vmem>> -> memref<1x1x80xi32, #tpu.memory_space<vmem>>
        %dma_start3A_219 = tpu.memref_squeeze %dma_start3A_218 : memref<1x1x80xi32, #tpu.memory_space<vmem>> -> memref<80xi32, #tpu.memory_space<vmem>>
        %dma_start3A_220 = arith.constant 0 : i32
        %dma_start3A_221 = arith.constant 0 : i32
        %dma_start3A_222 = tpu.memref_slice %arg2[%dma_start3A_220, %dma_start3A_221] : memref<10000x144xf32, #tpu.memory_space<hbm>> -> memref<10000x144xf32, #tpu.memory_space<hbm>>
        %dma_start3A_223 = tpu.memref_slice %arg13[%rem3A_155] : memref<3x!tpu.dma_semaphore, #tpu.memory_space<semaphore_mem>> -> memref<1x!tpu.dma_semaphore, #tpu.memory_space<semaphore_mem>>
        %dma_start3A_224 = tpu.memref_squeeze %dma_start3A_223 : memref<1x!tpu.dma_semaphore, #tpu.memory_space<semaphore_mem>> -> memref<!tpu.dma_semaphore, #tpu.memory_space<semaphore_mem>>
        tpu.enqueue_indirect_dma source(%dma_start3A_222 : memref<10000x144xf32, #tpu.memory_space<hbm>>) target(%dma_start3A_216 : memref<80x144xf32, #tpu.memory_space<vmem>>) offsets(%dma_start3A_219 : memref<80xi32, #tpu.memory_space<vmem>>) semaphore(%dma_start3A_224 : memref<!tpu.dma_semaphore, #tpu.memory_space<semaphore_mem>>)
        %dma_start3A_225 = arith.constant 0 : i32
        %dma_start3A_226 = tpu.memref_slice %arg8[%rem3A_155, %dma_start3A_225] : memref<3x80xf32, #tpu.memory_space<vmem>> -> memref<1x80xf32, #tpu.memory_space<vmem>>
        %dma_start3A_227 = tpu.memref_squeeze %dma_start3A_226 : memref<1x80xf32, #tpu.memory_space<vmem>> -> memref<80xf32, #tpu.memory_space<vmem>>
        %dma_start3A_228 = arith.constant 0 : i32
        %dma_start3A_229 = tpu.memref_slice %arg7[%rem3A_159, %rem3A_161, %dma_start3A_228] : memref<3x5x80xi32, #tpu.memory_space<vmem>> -> memref<1x1x80xi32, #tpu.memory_space<vmem>>
        %dma_start3A_230 = tpu.memref_squeeze %dma_start3A_229 : memref<1x1x80xi32, #tpu.memory_space<vmem>> -> memref<80xi32, #tpu.memory_space<vmem>>
        %dma_start3A_231 = arith.constant 0 : i32
        %dma_start3A_232 = tpu.memref_slice %arg3[%dma_start3A_231] : memref<10000xf32, #tpu.memory_space<hbm>> -> memref<10000xf32, #tpu.memory_space<hbm>>
        %dma_start3A_233 = tpu.memref_slice %arg13[%rem3A_155] : memref<3x!tpu.dma_semaphore, #tpu.memory_space<semaphore_mem>> -> memref<1x!tpu.dma_semaphore, #tpu.memory_space<semaphore_mem>>
        %dma_start3A_234 = tpu.memref_squeeze %dma_start3A_233 : memref<1x!tpu.dma_semaphore, #tpu.memory_space<semaphore_mem>> -> memref<!tpu.dma_semaphore, #tpu.memory_space<semaphore_mem>>
        tpu.enqueue_indirect_dma source(%dma_start3A_232 : memref<10000xf32, #tpu.memory_space<hbm>>) target(%dma_start3A_227 : memref<80xf32, #tpu.memory_space<vmem>>) offsets(%dma_start3A_230 : memref<80xi32, #tpu.memory_space<vmem>>) semaphore(%dma_start3A_234 : memref<!tpu.dma_semaphore, #tpu.memory_space<semaphore_mem>>)
      } else {
      }
      %parallel_loop3A = arith.constant 0 : i32
      %parallel_loop3A_196 = arith.constant 80 : i32
      %parallel_loop3A_197 = arith.constant 16 : i32
      scf.for %parallel_loop3A_213 = %parallel_loop3A to %parallel_loop3A_196 step %parallel_loop3A_197  : i32 {
        %parallel_loop3A_214 = vector.broadcast %parallel_loop3A_213 : i32 to vector<16xi32>
        %parallel_loop3A_215 = arith.addi %iota3A, %parallel_loop3A_214 : vector<16xi32>
        %parallel_loop3A_216 = arith.constant 0 : i32
        %parallel_loop3A_217 = vector.broadcast %parallel_loop3A_216 : i32 to vector<16xi32>
        %parallel_loop3A_218 = vector.broadcast %rem3A_146 : i32 to vector<16xi32>
        %parallel_loop3A_219 = arith.addi %parallel_loop3A_217, %parallel_loop3A_218 : vector<16xi32>
        %parallel_loop3A_220 = arith.constant 129 : i32
        %parallel_loop3A_221 = vector.broadcast %parallel_loop3A_220 : i32 to vector<16xi32>
        %parallel_loop3A_222 = tpu.vector_load_idx %arg10[%parallel_loop3A_219, %parallel_loop3A_215, %parallel_loop3A_221] : memref<3x80x144xf32, #tpu.memory_space<vmem>>[vector<16xi32>, vector<16xi32>, vector<16xi32>], vector<16xf32>,
        %parallel_loop3A_223 = arith.index_cast %rem3A_146 : i32 to index
        %parallel_loop3A_224 = arith.index_cast %parallel_loop3A_213 : i32 to index
        %parallel_loop3A_225 = tpu.vector_load %arg8[%parallel_loop3A_223, %parallel_loop3A_224] {strides = array<i32>} : memref<3x80xf32, #tpu.memory_space<vmem>>, vector<16xf32>,
        %parallel_loop3A_226 = arith.addf %parallel_loop3A_222, %parallel_loop3A_225 : vector<16xf32>
        %parallel_loop3A_227 = arith.constant 0.000000e+00 : f32
        %parallel_loop3A_228 = vector.broadcast %parallel_loop3A_227 : f32 to vector<16xf32>
        %parallel_loop3A_229 = arith.cmpf oge, %parallel_loop3A_226, %parallel_loop3A_228 : vector<16xf32>
        %parallel_loop3A_230 = arith.constant 2.000000e-01 : f32
        %parallel_loop3A_231 = vector.broadcast %parallel_loop3A_230 : f32 to vector<16xf32>
        %parallel_loop3A_232 = arith.mulf %parallel_loop3A_231, %parallel_loop3A_226 : vector<16xf32>
        %parallel_loop3A_233 = arith.select %parallel_loop3A_229, %parallel_loop3A_226, %parallel_loop3A_232 : vector<16xi1>, vector<16xf32>
        %parallel_loop3A_234 = math.exp %parallel_loop3A_233 : vector<16xf32>
        %parallel_loop3A_235 = arith.index_cast %parallel_loop3A_213 : i32 to index
        %parallel_loop3A_236 = tpu.vector_load %arg9[%parallel_loop3A_235] {strides = array<i32>} : memref<80xf32, #tpu.memory_space<vmem>>, vector<16xf32>,
        tpu.vector_store %arg9[%parallel_loop3A_235], %parallel_loop3A_234 {strides = array<i32>} : memref<80xf32, #tpu.memory_space<vmem>>, vector<16xf32>,
      } {sc.loop_unroll_factor = 2 : i64, sc.parallel_access}
      %parallel_loop3A_198 = arith.constant 0 : i32
      %parallel_loop3A_199 = arith.constant 80 : i32
      %parallel_loop3A_200 = arith.constant 1 : i32
      scf.for %parallel_loop3A_213 = %parallel_loop3A_198 to %parallel_loop3A_199 step %parallel_loop3A_200  : i32 {
        %parallel_loop3A_214 = arith.constant 0 : i32
        %parallel_loop3A_215 = vector.broadcast %parallel_loop3A_214 : i32 to vector<16xi32>
        %parallel_loop3A_216 = vector.broadcast %parallel_loop3A_213 : i32 to vector<16xi32>
        %parallel_loop3A_217 = arith.addi %parallel_loop3A_215, %parallel_loop3A_216 : vector<16xi32>
        %parallel_loop3A_218 = tpu.vector_load_idx %arg9[%parallel_loop3A_217] : memref<80xf32, #tpu.memory_space<vmem>>[vector<16xi32>], vector<16xf32>,
        %parallel_loop3A_219 = arith.index_cast %rem3A_146 : i32 to index
        %parallel_loop3A_220 = arith.index_cast %parallel_loop3A_213 : i32 to index
        %parallel_loop3A_221 = arith.constant 0 : index
        %parallel_loop3A_222 = tpu.vector_load %arg10[%parallel_loop3A_219, %parallel_loop3A_220, %parallel_loop3A_221] {strides = array<i32>} : memref<3x80x144xf32, #tpu.memory_space<vmem>>, vector<16xf32>,
        %parallel_loop3A_223 = arith.mulf %parallel_loop3A_222, %parallel_loop3A_218 : vector<16xf32>
        %parallel_loop3A_224 = arith.index_cast %rem3A_146 : i32 to index
        %parallel_loop3A_225 = arith.index_cast %parallel_loop3A_213 : i32 to index
        %parallel_loop3A_226 = arith.constant 0 : index
        %parallel_loop3A_227 = tpu.vector_load %arg10[%parallel_loop3A_224, %parallel_loop3A_225, %parallel_loop3A_226] {strides = array<i32>} : memref<3x80x144xf32, #tpu.memory_space<vmem>>, vector<16xf32>,
        tpu.vector_store %arg10[%parallel_loop3A_224, %parallel_loop3A_225, %parallel_loop3A_226], %parallel_loop3A_223 {strides = array<i32>} : memref<3x80x144xf32, #tpu.memory_space<vmem>>, vector<16xf32>,
        %parallel_loop3A_228 = arith.index_cast %rem3A_146 : i32 to index
        %parallel_loop3A_229 = arith.index_cast %parallel_loop3A_213 : i32 to index
        %parallel_loop3A_230 = arith.constant 16 : index
        %parallel_loop3A_231 = tpu.vector_load %arg10[%parallel_loop3A_228, %parallel_loop3A_229, %parallel_loop3A_230] {strides = array<i32>} : memref<3x80x144xf32, #tpu.memory_space<vmem>>, vector<16xf32>,
        %parallel_loop3A_232 = arith.mulf %parallel_loop3A_231, %parallel_loop3A_218 : vector<16xf32>
        %parallel_loop3A_233 = arith.index_cast %rem3A_146 : i32 to index
        %parallel_loop3A_234 = arith.index_cast %parallel_loop3A_213 : i32 to index
        %parallel_loop3A_235 = arith.constant 16 : index
        %parallel_loop3A_236 = tpu.vector_load %arg10[%parallel_loop3A_233, %parallel_loop3A_234, %parallel_loop3A_235] {strides = array<i32>} : memref<3x80x144xf32, #tpu.memory_space<vmem>>, vector<16xf32>,
        tpu.vector_store %arg10[%parallel_loop3A_233, %parallel_loop3A_234, %parallel_loop3A_235], %parallel_loop3A_232 {strides = array<i32>} : memref<3x80x144xf32, #tpu.memory_space<vmem>>, vector<16xf32>,
        %parallel_loop3A_237 = arith.index_cast %rem3A_146 : i32 to index
        %parallel_loop3A_238 = arith.index_cast %parallel_loop3A_213 : i32 to index
        %parallel_loop3A_239 = arith.constant 32 : index
        %parallel_loop3A_240 = tpu.vector_load %arg10[%parallel_loop3A_237, %parallel_loop3A_238, %parallel_loop3A_239] {strides = array<i32>} : memref<3x80x144xf32, #tpu.memory_space<vmem>>, vector<16xf32>,
        %parallel_loop3A_241 = arith.mulf %parallel_loop3A_240, %parallel_loop3A_218 : vector<16xf32>
        %parallel_loop3A_242 = arith.index_cast %rem3A_146 : i32 to index
        %parallel_loop3A_243 = arith.index_cast %parallel_loop3A_213 : i32 to index
        %parallel_loop3A_244 = arith.constant 32 : index
        %parallel_loop3A_245 = tpu.vector_load %arg10[%parallel_loop3A_242, %parallel_loop3A_243, %parallel_loop3A_244] {strides = array<i32>} : memref<3x80x144xf32, #tpu.memory_space<vmem>>, vector<16xf32>,
        tpu.vector_store %arg10[%parallel_loop3A_242, %parallel_loop3A_243, %parallel_loop3A_244], %parallel_loop3A_241 {strides = array<i32>} : memref<3x80x144xf32, #tpu.memory_space<vmem>>, vector<16xf32>,
        %parallel_loop3A_246 = arith.index_cast %rem3A_146 : i32 to index
        %parallel_loop3A_247 = arith.index_cast %parallel_loop3A_213 : i32 to index
        %parallel_loop3A_248 = arith.constant 48 : index
        %parallel_loop3A_249 = tpu.vector_load %arg10[%parallel_loop3A_246, %parallel_loop3A_247, %parallel_loop3A_248] {strides = array<i32>} : memref<3x80x144xf32, #tpu.memory_space<vmem>>, vector<16xf32>,
        %parallel_loop3A_250 = arith.mulf %parallel_loop3A_249, %parallel_loop3A_218 : vector<16xf32>
        %parallel_loop3A_251 = arith.index_cast %rem3A_146 : i32 to index
        %parallel_loop3A_252 = arith.index_cast %parallel_loop3A_213 : i32 to index
        %parallel_loop3A_253 = arith.constant 48 : index
        %parallel_loop3A_254 = tpu.vector_load %arg10[%parallel_loop3A_251, %parallel_loop3A_252, %parallel_loop3A_253] {strides = array<i32>} : memref<3x80x144xf32, #tpu.memory_space<vmem>>, vector<16xf32>,
        tpu.vector_store %arg10[%parallel_loop3A_251, %parallel_loop3A_252, %parallel_loop3A_253], %parallel_loop3A_250 {strides = array<i32>} : memref<3x80x144xf32, #tpu.memory_space<vmem>>, vector<16xf32>,
        %parallel_loop3A_255 = arith.index_cast %rem3A_146 : i32 to index
        %parallel_loop3A_256 = arith.index_cast %parallel_loop3A_213 : i32 to index
        %parallel_loop3A_257 = arith.constant 64 : index
        %parallel_loop3A_258 = tpu.vector_load %arg10[%parallel_loop3A_255, %parallel_loop3A_256, %parallel_loop3A_257] {strides = array<i32>} : memref<3x80x144xf32, #tpu.memory_space<vmem>>, vector<16xf32>,
        %parallel_loop3A_259 = arith.mulf %parallel_loop3A_258, %parallel_loop3A_218 : vector<16xf32>
        %parallel_loop3A_260 = arith.index_cast %rem3A_146 : i32 to index
        %parallel_loop3A_261 = arith.index_cast %parallel_loop3A_213 : i32 to index
        %parallel_loop3A_262 = arith.constant 64 : index
        %parallel_loop3A_263 = tpu.vector_load %arg10[%parallel_loop3A_260, %parallel_loop3A_261, %parallel_loop3A_262] {strides = array<i32>} : memref<3x80x144xf32, #tpu.memory_space<vmem>>, vector<16xf32>,
        tpu.vector_store %arg10[%parallel_loop3A_260, %parallel_loop3A_261, %parallel_loop3A_262], %parallel_loop3A_259 {strides = array<i32>} : memref<3x80x144xf32, #tpu.memory_space<vmem>>, vector<16xf32>,
        %parallel_loop3A_264 = arith.index_cast %rem3A_146 : i32 to index
        %parallel_loop3A_265 = arith.index_cast %parallel_loop3A_213 : i32 to index
        %parallel_loop3A_266 = arith.constant 80 : index
        %parallel_loop3A_267 = tpu.vector_load %arg10[%parallel_loop3A_264, %parallel_loop3A_265, %parallel_loop3A_266] {strides = array<i32>} : memref<3x80x144xf32, #tpu.memory_space<vmem>>, vector<16xf32>,
        %parallel_loop3A_268 = arith.mulf %parallel_loop3A_267, %parallel_loop3A_218 : vector<16xf32>
        %parallel_loop3A_269 = arith.index_cast %rem3A_146 : i32 to index
        %parallel_loop3A_270 = arith.index_cast %parallel_loop3A_213 : i32 to index
        %parallel_loop3A_271 = arith.constant 80 : index
        %parallel_loop3A_272 = tpu.vector_load %arg10[%parallel_loop3A_269, %parallel_loop3A_270, %parallel_loop3A_271] {strides = array<i32>} : memref<3x80x144xf32, #tpu.memory_space<vmem>>, vector<16xf32>,
        tpu.vector_store %arg10[%parallel_loop3A_269, %parallel_loop3A_270, %parallel_loop3A_271], %parallel_loop3A_268 {strides = array<i32>} : memref<3x80x144xf32, #tpu.memory_space<vmem>>, vector<16xf32>,
        %parallel_loop3A_273 = arith.index_cast %rem3A_146 : i32 to index
        %parallel_loop3A_274 = arith.index_cast %parallel_loop3A_213 : i32 to index
        %parallel_loop3A_275 = arith.constant 96 : index
        %parallel_loop3A_276 = tpu.vector_load %arg10[%parallel_loop3A_273, %parallel_loop3A_274, %parallel_loop3A_275] {strides = array<i32>} : memref<3x80x144xf32, #tpu.memory_space<vmem>>, vector<16xf32>,
        %parallel_loop3A_277 = arith.mulf %parallel_loop3A_276, %parallel_loop3A_218 : vector<16xf32>
        %parallel_loop3A_278 = arith.index_cast %rem3A_146 : i32 to index
        %parallel_loop3A_279 = arith.index_cast %parallel_loop3A_213 : i32 to index
        %parallel_loop3A_280 = arith.constant 96 : index
        %parallel_loop3A_281 = tpu.vector_load %arg10[%parallel_loop3A_278, %parallel_loop3A_279, %parallel_loop3A_280] {strides = array<i32>} : memref<3x80x144xf32, #tpu.memory_space<vmem>>, vector<16xf32>,
        tpu.vector_store %arg10[%parallel_loop3A_278, %parallel_loop3A_279, %parallel_loop3A_280], %parallel_loop3A_277 {strides = array<i32>} : memref<3x80x144xf32, #tpu.memory_space<vmem>>, vector<16xf32>,
        %parallel_loop3A_282 = arith.index_cast %rem3A_146 : i32 to index
        %parallel_loop3A_283 = arith.index_cast %parallel_loop3A_213 : i32 to index
        %parallel_loop3A_284 = arith.constant 112 : index
        %parallel_loop3A_285 = tpu.vector_load %arg10[%parallel_loop3A_282, %parallel_loop3A_283, %parallel_loop3A_284] {strides = array<i32>} : memref<3x80x144xf32, #tpu.memory_space<vmem>>, vector<16xf32>,
        %parallel_loop3A_286 = arith.mulf %parallel_loop3A_285, %parallel_loop3A_218 : vector<16xf32>
        %parallel_loop3A_287 = arith.index_cast %rem3A_146 : i32 to index
        %parallel_loop3A_288 = arith.index_cast %parallel_loop3A_213 : i32 to index
        %parallel_loop3A_289 = arith.constant 112 : index
        %parallel_loop3A_290 = tpu.vector_load %arg10[%parallel_loop3A_287, %parallel_loop3A_288, %parallel_loop3A_289] {strides = array<i32>} : memref<3x80x144xf32, #tpu.memory_space<vmem>>, vector<16xf32>,
        tpu.vector_store %arg10[%parallel_loop3A_287, %parallel_loop3A_288, %parallel_loop3A_289], %parallel_loop3A_286 {strides = array<i32>} : memref<3x80x144xf32, #tpu.memory_space<vmem>>, vector<16xf32>,
        %parallel_loop3A_291 = arith.constant 0 : i32
        %parallel_loop3A_292 = vector.broadcast %parallel_loop3A_291 : i32 to vector<16xi32>
        %parallel_loop3A_293 = arith.cmpi eq, %iota3A, %parallel_loop3A_292 : vector<16xi32>
        %parallel_loop3A_294 = arith.constant 0.000000e+00 : f32
        %parallel_loop3A_295 = vector.broadcast %parallel_loop3A_294 : f32 to vector<16xf32>
        %parallel_loop3A_296 = arith.select %parallel_loop3A_293, %parallel_loop3A_218, %parallel_loop3A_295 : vector<16xi1>, vector<16xf32>
        %parallel_loop3A_297 = arith.index_cast %rem3A_146 : i32 to index
        %parallel_loop3A_298 = arith.index_cast %parallel_loop3A_213 : i32 to index
        %parallel_loop3A_299 = arith.constant 128 : index
        %parallel_loop3A_300 = tpu.vector_load %arg10[%parallel_loop3A_297, %parallel_loop3A_298, %parallel_loop3A_299] {strides = array<i32>} : memref<3x80x144xf32, #tpu.memory_space<vmem>>, vector<16xf32>,
        tpu.vector_store %arg10[%parallel_loop3A_297, %parallel_loop3A_298, %parallel_loop3A_299], %parallel_loop3A_296 {strides = array<i32>} : memref<3x80x144xf32, #tpu.memory_space<vmem>>, vector<16xf32>,
      } {sc.loop_unroll_factor = 4 : i64, sc.parallel_access}
      %dma_start3A_201 = arith.constant 0 : i32
      %dma_start3A_202 = arith.constant 0 : i32
      %dma_start3A_203 = tpu.memref_slice %arg10[%rem3A_146, %dma_start3A_201, %dma_start3A_202] : memref<3x80x144xf32, #tpu.memory_space<vmem>> -> memref<1x80x144xf32, #tpu.memory_space<vmem>>
      %dma_start3A_204 = tpu.memref_squeeze %dma_start3A_203 : memref<1x80x144xf32, #tpu.memory_space<vmem>> -> memref<80x144xf32, #tpu.memory_space<vmem>>
      %dma_start3A_205 = arith.constant 0 : i32
      %dma_start3A_206 = tpu.memref_slice %arg7[%rem3A_149, %rem3A_151, %dma_start3A_205] : memref<3x5x80xi32, #tpu.memory_space<vmem>> -> memref<1x1x80xi32, #tpu.memory_space<vmem>>
      %dma_start3A_207 = tpu.memref_squeeze %dma_start3A_206 : memref<1x1x80xi32, #tpu.memory_space<vmem>> -> memref<80xi32, #tpu.memory_space<vmem>>
      %dma_start3A_208 = arith.constant 0 : i32
      %dma_start3A_209 = arith.constant 0 : i32
      %dma_start3A_210 = tpu.memref_slice %arg11[%dma_start3A_208, %dma_start3A_209] : memref<10000x144xf32, #tpu.memory_space<vmem_shared>> -> memref<10000x144xf32, #tpu.memory_space<vmem_shared>>
      %dma_start3A_211 = tpu.memref_slice %arg14[%rem3A_146] : memref<3x!tpu.dma_semaphore, #tpu.memory_space<semaphore_mem>> -> memref<1x!tpu.dma_semaphore, #tpu.memory_space<semaphore_mem>>
      %dma_start3A_212 = tpu.memref_squeeze %dma_start3A_211 : memref<1x!tpu.dma_semaphore, #tpu.memory_space<semaphore_mem>> -> memref<!tpu.dma_semaphore, #tpu.memory_space<semaphore_mem>>
      tpu.enqueue_indirect_dma source(%dma_start3A_204 : memref<80x144xf32, #tpu.memory_space<vmem>>) target(%dma_start3A_210 : memref<10000x144xf32, #tpu.memory_space<vmem_shared>>) offsets(%dma_start3A_207 : memref<80xi32, #tpu.memory_space<vmem>>) semaphore(%dma_start3A_212 : memref<!tpu.dma_semaphore, #tpu.memory_space<semaphore_mem>>) {add = true}
    }
    %scan3A_128 = arith.constant 125 : i32
    %dma_wait3A = arith.constant 1 : i32
    %dma_wait3A_129 = arith.constant 0 : i32
    %dma_wait3A_130 = arith.constant 4 : i32
    %dma_wait3A_131 = arith.constant 1 : i32
    %dma_wait3A_132 = arith.constant 0 : i32
    %dma_wait3A_133 = arith.constant 0 : i32
    %dma_wait3A_134 = tpu.memref_slice %arg10[%dma_wait3A, %dma_wait3A_132, %dma_wait3A_133] : memref<3x80x144xf32, #tpu.memory_space<vmem>> -> memref<1x80x144xf32, #tpu.memory_space<vmem>>
    %dma_wait3A_135 = tpu.memref_squeeze %dma_wait3A_134 : memref<1x80x144xf32, #tpu.memory_space<vmem>> -> memref<80x144xf32, #tpu.memory_space<vmem>>
    %dma_wait3A_136 = arith.constant 0 : i32
    %dma_wait3A_137 = tpu.memref_slice %arg7[%dma_wait3A_129, %dma_wait3A_130, %dma_wait3A_136] : memref<3x5x80xi32, #tpu.memory_space<vmem>> -> memref<1x1x80xi32, #tpu.memory_space<vmem>>
    %dma_wait3A_138 = tpu.memref_squeeze %dma_wait3A_137 : memref<1x1x80xi32, #tpu.memory_space<vmem>> -> memref<80xi32, #tpu.memory_space<vmem>>
    %dma_wait3A_139 = arith.constant 0 : i32
    %dma_wait3A_140 = arith.constant 0 : i32
    %dma_wait3A_141 = tpu.memref_slice %arg11[%dma_wait3A_139, %dma_wait3A_140] : memref<10000x144xf32, #tpu.memory_space<vmem_shared>> -> memref<10000x144xf32, #tpu.memory_space<vmem_shared>>
    %dma_wait3A_142 = tpu.memref_slice %arg14[%dma_wait3A_131] : memref<3x!tpu.dma_semaphore, #tpu.memory_space<semaphore_mem>> -> memref<1x!tpu.dma_semaphore, #tpu.memory_space<semaphore_mem>>
    %dma_wait3A_143 = tpu.memref_squeeze %dma_wait3A_142 : memref<1x!tpu.dma_semaphore, #tpu.memory_space<semaphore_mem>> -> memref<!tpu.dma_semaphore, #tpu.memory_space<semaphore_mem>>
    tpu.wait_indirect_dma semaphore(%dma_wait3A_143 : memref<!tpu.dma_semaphore, #tpu.memory_space<semaphore_mem>>) src(%dma_wait3A_135 : memref<80x144xf32, #tpu.memory_space<vmem>>) dst(%dma_wait3A_141 : memref<10000x144xf32, #tpu.memory_space<vmem_shared>>)
    %barrier3A_144 = arith.constant 0 : index
    tpu.barrier barrier_id(%barrier3A_144)
    "tpu.region"() ({
      %run_scoped3A_145 = tpu.sem_alloc : memref<!tpu.dma_semaphore, #tpu.memory_space<semaphore_mem>>
      %dma_start3A_146 = arith.constant 0 : i32
      %dma_start3A_147 = tpu.memref_slice %arg5[%arg0, %mul3A_9, %dma_start3A_146] : memref<2x10000x144xf32, #tpu.memory_space<hbm>> -> memref<1x625x144xf32, #tpu.memory_space<hbm>>
      %dma_start3A_148 = tpu.memref_squeeze %dma_start3A_147 : memref<1x625x144xf32, #tpu.memory_space<hbm>> -> memref<625x144xf32, #tpu.memory_space<hbm>>
      %dma_start3A_149 = arith.constant 0 : i32
      %dma_start3A_150 = tpu.memref_slice %arg11[%mul3A_9, %dma_start3A_149] : memref<10000x144xf32, #tpu.memory_space<vmem_shared>> -> memref<625x144xf32, #tpu.memory_space<vmem_shared>>
      tpu.enqueue_dma source(%dma_start3A_150 : memref<625x144xf32, #tpu.memory_space<vmem_shared>>) target(%dma_start3A_148 : memref<625x144xf32, #tpu.memory_space<hbm>>) target_semaphore(%run_scoped3A_145 : memref<!tpu.dma_semaphore, #tpu.memory_space<semaphore_mem>>)
      %dma_wait3A_151 = arith.constant 0 : i32
      %dma_wait3A_152 = tpu.memref_slice %arg5[%arg0, %mul3A_9, %dma_wait3A_151] : memref<2x10000x144xf32, #tpu.memory_space<hbm>> -> memref<1x625x144xf32, #tpu.memory_space<hbm>>
      %dma_wait3A_153 = tpu.memref_squeeze %dma_wait3A_152 : memref<1x625x144xf32, #tpu.memory_space<hbm>> -> memref<625x144xf32, #tpu.memory_space<hbm>>
      %dma_wait3A_154 = arith.constant 0 : i32
      %dma_wait3A_155 = tpu.memref_slice %arg11[%mul3A_9, %dma_wait3A_154] : memref<10000x144xf32, #tpu.memory_space<vmem_shared>> -> memref<625x144xf32, #tpu.memory_space<vmem_shared>>
      tpu.wait_dma2 semaphore(%run_scoped3A_145 : memref<!tpu.dma_semaphore, #tpu.memory_space<semaphore_mem>>) src(%dma_wait3A_155 : memref<625x144xf32, #tpu.memory_space<vmem_shared>>) dst(%dma_wait3A_153 : memref<625x144xf32, #tpu.memory_space<hbm>>)
      tpu.yield
    }) : () -> ()
    return
  }
}

module attributes {stable_mosaic.version = 14 : i64} {
  func.func @_mm_body(%arg0: i32, %arg1: memref<400x128xf32, #tpu.memory_space<vmem>>, %arg2: memref<128x128xf32, #tpu.memory_space<vmem>>, %arg3: memref<1x128xf32, #tpu.memory_space<vmem>>, %arg4: memref<1x128xf32, #tpu.memory_space<vmem>>, %arg5: memref<400x144xf32, #tpu.memory_space<vmem>>, %arg6: memref<400x1xf32, #tpu.memory_space<vmem>>) attributes {dimension_semantics = [#tpu.dimension_semantics<arbitrary>], iteration_bounds = array<i64: 25>, scalar_prefetch = 0 : i64, scratch_operands = 0 : i64, tpu.core_type = #tpu.core_type<tc>, window_params = [{transform_indices = @transform_0, window_bounds = array<i64: 400, 128>}, {pipeline_mode = #tpu.pipeline_mode<synchronous>, transform_indices = @transform_1, window_bounds = array<i64: 128, 128>}, {pipeline_mode = #tpu.pipeline_mode<synchronous>, transform_indices = @transform_2, window_bounds = array<i64: 1, 128>}, {pipeline_mode = #tpu.pipeline_mode<synchronous>, transform_indices = @transform_3, window_bounds = array<i64: 1, 128>}, {transform_indices = @transform_4, window_bounds = array<i64: 400, 144>}, {transform_indices = @transform_5, window_bounds = array<i64: 400, 1>}]} {
    %get3A = arith.constant 0 : index
    %get3A_0 = arith.constant 0 : index
    %get3A_1 = vector.load %arg1[%get3A, %get3A_0] : memref<400x128xf32, #tpu.memory_space<vmem>>, vector<400x128xf32>
    %get3A_2 = arith.constant 0 : index
    %get3A_3 = arith.constant 0 : index
    %get3A_4 = vector.load %arg2[%get3A_2, %get3A_3] : memref<128x128xf32, #tpu.memory_space<vmem>>, vector<128x128xf32>
    %dot_general3A = arith.constant dense<0.000000e+00> : vector<400x128xf32>
    %dot_general3A_5 = tpu.matmul %get3A_1, %get3A_4, %dot_general3A {dimension_numbers = #tpu.dot_dimension_numbers<[1], [0], [0], [1], [0, 0, 1, 1], [], []>, transpose_lhs_hint = false} : vector<400x128xf32>, vector<128x128xf32>, vector<400x128xf32> -> vector<400x128xf32>
    %get3A_6 = arith.constant 0 : index
    %get3A_7 = arith.constant 0 : index
    %get3A_8 = vector.load %arg3[%get3A_6, %get3A_7] : memref<1x128xf32, #tpu.memory_space<vmem>>, vector<1x128xf32>
    %mul3A = vector.broadcast %get3A_8 : vector<1x128xf32> to vector<400x128xf32>
    %mul3A_9 = arith.mulf %dot_general3A_5, %mul3A : vector<400x128xf32>
    %reduce_sum3A = arith.constant dense<0.000000e+00> : vector<400xf32>
    %reduce_sum3A_10 = vector.multi_reduction <add>, %mul3A_9, %reduce_sum3A [1] : vector<400x128xf32> to vector<400xf32>
    %broadcast_in_dim3A = vector.shape_cast %reduce_sum3A_10 : vector<400xf32> to vector<400x1xf32>
    %get3A_11 = arith.constant 0 : index
    %get3A_12 = arith.constant 0 : index
    %get3A_13 = vector.load %arg4[%get3A_11, %get3A_12] : memref<1x128xf32, #tpu.memory_space<vmem>>, vector<1x128xf32>
    %mul3A_14 = vector.broadcast %get3A_13 : vector<1x128xf32> to vector<400x128xf32>
    %mul3A_15 = arith.mulf %dot_general3A_5, %mul3A_14 : vector<400x128xf32>
    %reduce_sum3A_16 = arith.constant dense<0.000000e+00> : vector<400xf32>
    %reduce_sum3A_17 = vector.multi_reduction <add>, %mul3A_15, %reduce_sum3A_16 [1] : vector<400x128xf32> to vector<400xf32>
    %broadcast_in_dim3A_18 = vector.shape_cast %reduce_sum3A_17 : vector<400xf32> to vector<400x1xf32>
    %iota3A = tpu.iota {dimensions = array<i32: 1>} : vector<400x16xi32>
    %eq3A = arith.constant 0 : i32
    %eq3A_19 = vector.broadcast %eq3A : i32 to vector<400x16xi32>
    %eq3A_20 = arith.cmpi eq, %iota3A, %eq3A_19 : vector<400x16xi32>
    %eq3A_21 = arith.constant 1 : i32
    %eq3A_22 = vector.broadcast %eq3A_21 : i32 to vector<400x16xi32>
    %eq3A_23 = arith.cmpi eq, %iota3A, %eq3A_22 : vector<400x16xi32>
    %eq3A_24 = arith.constant 2 : i32
    %eq3A_25 = vector.broadcast %eq3A_24 : i32 to vector<400x16xi32>
    %eq3A_26 = arith.cmpi eq, %iota3A, %eq3A_25 : vector<400x16xi32>
    %jit3A = arith.constant 0.000000e+00 : f32
    %broadcast_in_dim3A_27 = vector.shape_cast %broadcast_in_dim3A_18 : vector<400x1xf32> to vector<400x1xf32>
    %broadcast_in_dim3A_28 = vector.broadcast %broadcast_in_dim3A_27 : vector<400x1xf32> to vector<400x16xf32>
    %broadcast_in_dim3A_29 = vector.broadcast %jit3A : f32 to vector<400x16xf32>
    %select_n3A = arith.select %eq3A_26, %broadcast_in_dim3A_28, %broadcast_in_dim3A_29 : vector<400x16xi1>, vector<400x16xf32>
    %broadcast_in_dim3A_30 = vector.shape_cast %broadcast_in_dim3A : vector<400x1xf32> to vector<400x1xf32>
    %broadcast_in_dim3A_31 = vector.broadcast %broadcast_in_dim3A_30 : vector<400x1xf32> to vector<400x16xf32>
    %select_n3A_32 = arith.select %eq3A_23, %broadcast_in_dim3A_31, %select_n3A : vector<400x16xi1>, vector<400x16xf32>
    %jit3A_33 = arith.constant 1.000000e+00 : f32
    %broadcast_in_dim3A_34 = vector.broadcast %jit3A_33 : f32 to vector<400x16xf32>
    %select_n3A_35 = arith.select %eq3A_20, %broadcast_in_dim3A_34, %select_n3A_32 : vector<400x16xi1>, vector<400x16xf32>
    %concatenate3A = tpu.concatenate %dot_general3A_5, %select_n3A_35 in 1 : vector<400x128xf32>, vector<400x16xf32> -> vector<400x144xf32>
    %swap3A = arith.constant 0 : index
    %swap3A_36 = arith.constant 0 : index
    %swap3A_37 = vector.load %arg5[%swap3A, %swap3A_36] : memref<400x144xf32, #tpu.memory_space<vmem>>, vector<400x144xf32>
    tpu.vector_store %arg5[%swap3A, %swap3A_36], %concatenate3A {strides = array<i32>} : memref<400x144xf32, #tpu.memory_space<vmem>>, vector<400x144xf32>,
    %swap3A_38 = arith.constant 0 : index
    %swap3A_39 = arith.constant 0 : index
    %swap3A_40 = vector.load %arg6[%swap3A_38, %swap3A_39] : memref<400x1xf32, #tpu.memory_space<vmem>>, vector<400x1xf32>
    tpu.vector_store %arg6[%swap3A_38, %swap3A_39], %broadcast_in_dim3A_18 {strides = array<i32>} : memref<400x1xf32, #tpu.memory_space<vmem>>, vector<400x1xf32>,
    return
  }
  func.func @transform_0(%arg0: i32) -> (i32, i32) {
    %c0_i32 = arith.constant 0 : i32
    %c0_i32_0 = arith.constant 0 : i32
    return %arg0, %c0_i32 : i32, i32
  }
  func.func @transform_1(%arg0: i32) -> (i32, i32) {
    %c0_i32 = arith.constant 0 : i32
    %c0_i32_0 = arith.constant 0 : i32
    %c0_i32_1 = arith.constant 0 : i32
    return %c0_i32, %c0_i32_0 : i32, i32
  }
  func.func @transform_2(%arg0: i32) -> (i32, i32) {
    %c0_i32 = arith.constant 0 : i32
    %c0_i32_0 = arith.constant 0 : i32
    %c0_i32_1 = arith.constant 0 : i32
    return %c0_i32, %c0_i32_0 : i32, i32
  }
  func.func @transform_3(%arg0: i32) -> (i32, i32) {
    %c0_i32 = arith.constant 0 : i32
    %c0_i32_0 = arith.constant 0 : i32
    %c0_i32_1 = arith.constant 0 : i32
    return %c0_i32, %c0_i32_0 : i32, i32
  }
  func.func @transform_4(%arg0: i32) -> (i32, i32) {
    %c0_i32 = arith.constant 0 : i32
    %c0_i32_0 = arith.constant 0 : i32
    return %arg0, %c0_i32 : i32, i32
  }
  func.func @transform_5(%arg0: i32) -> (i32, i32) {
    %c0_i32 = arith.constant 0 : i32
    %c0_i32_0 = arith.constant 0 : i32
    return %arg0, %c0_i32 : i32, i32
  }
}

module attributes {stable_mosaic.version = 14 : i64} {
  func.func @_fin_body(%arg0: i32, %arg1: memref<2x400x144xf32, #tpu.memory_space<vmem>>, %arg2: memref<400x144xf32, #tpu.memory_space<vmem>>, %arg3: memref<1x128xf32, #tpu.memory_space<vmem>>, %arg4: memref<400x128xf32, #tpu.memory_space<vmem>>) attributes {dimension_semantics = [#tpu.dimension_semantics<arbitrary>], iteration_bounds = array<i64: 25>, scalar_prefetch = 0 : i64, scratch_operands = 0 : i64, tpu.core_type = #tpu.core_type<tc>, window_params = [{transform_indices = @transform_0, window_bounds = array<i64: 2, 400, 144>}, {transform_indices = @transform_1, window_bounds = array<i64: 400, 144>}, {pipeline_mode = #tpu.pipeline_mode<synchronous>, transform_indices = @transform_2, window_bounds = array<i64: 1, 128>}, {transform_indices = @transform_3, window_bounds = array<i64: 400, 128>}]} {
    %get3A = arith.constant 0 : index
    %get3A_0 = arith.constant 0 : index
    %get3A_1 = arith.constant 0 : index
    %get3A_2 = vector.load %arg1[%get3A, %get3A_0, %get3A_1] : memref<2x400x144xf32, #tpu.memory_space<vmem>>, vector<1x400x144xf32>
    %get3A_3 = vector.shape_cast %get3A_2 : vector<1x400x144xf32> to vector<400x144xf32>
    %get3A_4 = arith.constant 1 : index
    %get3A_5 = arith.constant 0 : index
    %get3A_6 = arith.constant 0 : index
    %get3A_7 = vector.load %arg1[%get3A_4, %get3A_5, %get3A_6] : memref<2x400x144xf32, #tpu.memory_space<vmem>>, vector<1x400x144xf32>
    %get3A_8 = vector.shape_cast %get3A_7 : vector<1x400x144xf32> to vector<400x144xf32>
    %add3A = arith.addf %get3A_3, %get3A_8 : vector<400x144xf32>
    %get3A_9 = arith.constant 0 : index
    %get3A_10 = arith.constant 0 : index
    %get3A_11 = vector.load %arg2[%get3A_9, %get3A_10] : memref<400x144xf32, #tpu.memory_space<vmem>>, vector<400x144xf32>
    %slice3A = vector.extract_strided_slice %get3A_11 {offsets = [0, 0], sizes = [400, 128], strides = [1, 1]} : vector<400x144xf32> to vector<400x128xf32>
    %slice3A_12 = vector.extract_strided_slice %get3A_11 {offsets = [0, 129], sizes = [400, 1], strides = [1, 1]} : vector<400x144xf32> to vector<400x1xf32>
    %slice3A_13 = vector.extract_strided_slice %get3A_11 {offsets = [0, 130], sizes = [400, 1], strides = [1, 1]} : vector<400x144xf32> to vector<400x1xf32>
    %add3A_14 = arith.addf %slice3A_12, %slice3A_13 : vector<400x1xf32>
    %ge3A = arith.constant 0.000000e+00 : f32
    %ge3A_15 = vector.broadcast %ge3A : f32 to vector<400x1xf32>
    %ge3A_16 = arith.cmpf oge, %add3A_14, %ge3A_15 : vector<400x1xf32>
    %mul3A = arith.constant 2.000000e-01 : f32
    %mul3A_17 = vector.broadcast %mul3A : f32 to vector<400x1xf32>
    %mul3A_18 = arith.mulf %mul3A_17, %add3A_14 : vector<400x1xf32>
    %select_n3A = arith.select %ge3A_16, %add3A_14, %mul3A_18 : vector<400x1xi1>, vector<400x1xf32>
    %exp3A = math.exp %select_n3A : vector<400x1xf32>
    %slice3A_19 = vector.extract_strided_slice %add3A {offsets = [0, 128], sizes = [400, 1], strides = [1, 1]} : vector<400x144xf32> to vector<400x1xf32>
    %add3A_20 = arith.addf %slice3A_19, %exp3A : vector<400x1xf32>
    %add3A_21 = arith.constant 1.000000e-16 : f32
    %add3A_22 = vector.broadcast %add3A_21 : f32 to vector<400x1xf32>
    %add3A_23 = arith.addf %add3A_20, %add3A_22 : vector<400x1xf32>
    %slice3A_24 = vector.extract_strided_slice %add3A {offsets = [0, 0], sizes = [400, 128], strides = [1, 1]} : vector<400x144xf32> to vector<400x128xf32>
    %mul3A_25 = vector.broadcast %exp3A : vector<400x1xf32> to vector<400x128xf32>
    %mul3A_26 = arith.mulf %mul3A_25, %slice3A : vector<400x128xf32>
    %add3A_27 = arith.addf %slice3A_24, %mul3A_26 : vector<400x128xf32>
    %div3A = vector.broadcast %add3A_23 : vector<400x1xf32> to vector<400x128xf32>
    %div3A_28 = arith.divf %add3A_27, %div3A : vector<400x128xf32>
    %get3A_29 = arith.constant 0 : index
    %get3A_30 = arith.constant 0 : index
    %get3A_31 = vector.load %arg3[%get3A_29, %get3A_30] : memref<1x128xf32, #tpu.memory_space<vmem>>, vector<1x128xf32>
    %add3A_32 = vector.broadcast %get3A_31 : vector<1x128xf32> to vector<400x128xf32>
    %add3A_33 = arith.addf %div3A_28, %add3A_32 : vector<400x128xf32>
    %swap3A = arith.constant 0 : index
    %swap3A_34 = arith.constant 0 : index
    %swap3A_35 = vector.load %arg4[%swap3A, %swap3A_34] : memref<400x128xf32, #tpu.memory_space<vmem>>, vector<400x128xf32>
    tpu.vector_store %arg4[%swap3A, %swap3A_34], %add3A_33 {strides = array<i32>} : memref<400x128xf32, #tpu.memory_space<vmem>>, vector<400x128xf32>,
    return
  }
  func.func @transform_0(%arg0: i32) -> (i32, i32, i32) {
    %c0_i32 = arith.constant 0 : i32
    %c0_i32_0 = arith.constant 0 : i32
    %c0_i32_1 = arith.constant 0 : i32
    return %c0_i32, %arg0, %c0_i32_0 : i32, i32, i32
  }
  func.func @transform_1(%arg0: i32) -> (i32, i32) {
    %c0_i32 = arith.constant 0 : i32
    %c0_i32_0 = arith.constant 0 : i32
    return %arg0, %c0_i32 : i32, i32
  }
  func.func @transform_2(%arg0: i32) -> (i32, i32) {
    %c0_i32 = arith.constant 0 : i32
    %c0_i32_0 = arith.constant 0 : i32
    %c0_i32_1 = arith.constant 0 : i32
    return %c0_i32, %c0_i32_0 : i32, i32
  }
  func.func @transform_3(%arg0: i32) -> (i32, i32) {
    %c0_i32 = arith.constant 0 : i32
    %c0_i32_0 = arith.constant 0 : i32
    return %arg0, %c0_i32 : i32, i32
  }
}

</mosaic_0001>

<sc_bundles>
// kernel: kernel.5.cloned.1.call-start
scs
__scs_entry_jumppad:
0x0: {  	(pc) =	sbr.rel $0x88, $3  }
0x1: {  	(tag) =	ssettag $0x0;
	lr =	simm.s32 $0x1  }
0x2: {  	[smem:$0x3F9B] =	sst lr;
	_ =	strace $0xD0000000  }
0x3: {  	_ = 	snop  }
0x4: {  	_ = 	snop  }
0x5: {  	_ = 	snop  }
0x6: {  	_ = 	snop  }
0x7: {  	_ = 	snop  }
__scs_overlays_trampoline_lowered:
0x8: {  	[smem:$0x3FAA] =	sst s0  }
0x9: {  	[smem:$0x3FAB] =	sst s1  }
0xa: {  	[smem:$0x3FAC] =	sst s2  }
0xb: {  	[smem:$0x3FAD] =	sst s3  }
0xc: {  	[smem:$0x3FAE] =	sst s4  }
0xd: {  	[smem:$0x3FAF] =	sst s5  }
0xe: {  	[smem:$0x3FB0] =	sst s6  }
0xf: {  	[smem:$0x3FB1] =	sst s7  }
0x10: {  	[smem:$0x3FB2] =	sst s8  }
0x11: {  	[smem:$0x3FB3] =	sst s9;
	s0 =	simm.s32 @!p0 $0x0  }
0x12: {  	s1 =	sld [smem:$0x3F99];
	s0 =	simm.s32 @p0 $0x1  }
0x13: {  	[smem:$0x3FB4] =	sst s0;
	s0 =	simm.s32 @!p1 $0x0  }
0x14: {  	s2 =	sld [smem:$0x3F98];
	s0 =	simm.s32 @p1 $0x1  }
0x15: {  	[smem:$0x3FB5] =	sst s0;
	s0 =	simm.s32 @!p2 $0x0  }
0x16: {  	s3 =	sld [smem:$0x3FDB];
	s0 =	simm.s32 @p2 $0x1  }
0x17: {  	s4 =	simm.s32 $0x1BF5;
	[smem:$0x3FB7] =	sst s0  }
0x18: {  	s0 =	sld [smem:$0x3F9A];
	_ =	swait.ge [sflag:s4], $0x0  }
0x19: {  	s7 =	sld [smem:$0x3F9B]  }
0x1a: {  	s8 =	sadd.s32 $0xFFFFE003, lr  }
0x1b: {  	s9 =	sadd.s32 $0xFFFFFEF7, lr;
	s5 =	simm.s32 $0xFFFFFFFF;
	p2 =	slt.u32 s8, $0xFFFFF086  }
0x1c: {  	p1 =	slt.u32 s9, $0xF7A;
	s5 =	simm.s32 @!p2 $0x0  }
0x1d: {  	s5 =	simm.s32 @p1 $0x1;
	p0 =	seq.s32 s7, s2  }
0x1e: {  	s7 =	smul.u32 @!p0 $0xF7A, s2;
	p2 =	seq.s32 @!p0 s5, $0x0  }
0x1f: {  	s9 =	smul.u32 $0xF7A, s1;
	s8 =	simm.s32 @!p0 $0x1BF5;
	p2 =	por !p2, p0  }
0x20: {  	[sflag:s8] =	ssyncset.s32 @!p0 $0xFFFFF086;
	s6 =	sadd.s32 @!p0 s3, s7;
	s7 =	simm.s32 @!p0 $0x108  }
0x21: {  	s3 =	sadd.s32 s3, s9;
	s6 =	sadd.s32 @!p0 $0x88, s6;
	s7 =	simm.s32 @p2 $0x1082  }
0x22: {  	[simem:s7], [sflag:s8] =	dma.local @!p0 [hbm:s6], $0xF7A  }
0x23: {  	s9 =	sor.u32 $0xD0000000, s2;
	s6 =	simm.s32 $0x108;
	_ =	swait.ge @!p0 [sflag:s8], $0x0  }
0x24: {  	s3 =	sadd.s32 $0x88, s3;
	s6 =	simm.s32 @!p1 $0x1082;
	[sflag:s4] =	ssyncset.s32 $0xFFFFF086  }
0x25: {  	[simem:s6], [sflag:s4] =	dma.local [hbm:s3], $0xF7A  }
0x26: {  	[smem:$0x3F9B] =	sst s1;
	(tag) =	ssettag s2;
	_ =	strace s9  }
0x27: {  	s1 =	sld [smem:$0x3FAB]  }
0x28: {  	s2 =	sld [smem:$0x3FAC]  }
0x29: {  	s4 =	sld [smem:$0x3FAE]  }
0x2a: {  	p0 =	seq.s32 s5, $0x0;
	s5 =	sld [smem:$0x3FAF]  }
0x2b: {  	s6 =	sld [smem:$0x3FB0]  }
0x2c: {  	s7 =	sld [smem:$0x3FB1]  }
0x2d: {  	s3 =	simm.s32 $0x108;
	s8 =	sld [smem:$0x3FB2]  }
0x2e: {  	s3 =	simm.s32 @!p0 $0x1082;
	s9 =	sld [smem:$0x3FB3]  }
0x2f: {  	lr =	sadd.s32 s0, s3;
	s0 =	sld [smem:$0x3FAA]  }
0x30: {  	s3 =	sld [smem:$0x3FAD]  }
0x31: {  	[smem:$0x3FB6] =	sst s10  }
0x32: {  	s10 =	sld [smem:$0x3FB4];
	_ =	sdelay $0x3  }
0x33: {  	p0 =	seq.s32 s10, $0x1;
	s10 =	sld [smem:$0x3FB6];
	_ =	sdelay $0x3  }
0x34: {  	[smem:$0x3FB6] =	sst s10  }
0x35: {  	s10 =	sld [smem:$0x3FB5];
	_ =	sdelay $0x3  }
0x36: {  	p1 =	seq.s32 s10, $0x1;
	s10 =	sld [smem:$0x3FB6];
	_ =	sdelay $0x3  }
0x37: {  	[smem:$0x3FB6] =	sst s10  }
0x38: {  	s10 =	sld [smem:$0x3FB7]  }
0x39: {  	_ = 	snop;
	(pc) =	sbr.ind lr, $3  }
0x3a: {  	_ = 	snop  }
0x3b: {  	_ = 	snop  }
0x3c: {  	p2 =	seq.s32 s10, $0x1;
	s10 =	sld [smem:$0x3FB6]  }
0x3d: {  	_ =	shalt  }
0x3e: {  	_ =	shalt  }
0x3f: {  	_ =	shalt  }
0x40: {  	_ =	shalt  }
0x41: {  	_ =	shalt  }
0x42: {  	_ =	shalt  }
0x43: {  	_ =	shalt  }
0x44: {  	_ =	shalt  }
0x45: {  	_ =	shalt  }
0x46: {  	_ =	shalt  }
0x47: {  	_ =	shalt  }
0x48: {  	_ =	shalt  }
0x49: {  	_ =	shalt  }
0x4a: {  	_ =	shalt  }
0x4b: {  	_ =	shalt  }
0x4c: {  	_ =	shalt  }
0x4d: {  	_ =	shalt  }
0x4e: {  	_ =	shalt  }
0x4f: {  	_ =	shalt  }
0x50: {  	_ =	shalt  }
0x51: {  	_ =	shalt  }
0x52: {  	_ =	shalt  }
0x53: {  	_ =	shalt  }
0x54: {  	_ =	shalt  }
0x55: {  	_ =	shalt  }
0x56: {  	_ =	shalt  }
0x57: {  	_ =	shalt  }
0x58: {  	_ =	shalt  }
0x59: {  	_ =	shalt  }
0x5a: {  	_ =	shalt  }
0x5b: {  	_ =	shalt  }
0x5c: {  	_ =	shalt  }
0x5d: {  	_ =	shalt  }
0x5e: {  	_ =	shalt  }
0x5f: {  	_ =	shalt  }
0x60: {  	_ =	shalt  }
0x61: {  	_ =	shalt  }
0x62: {  	_ =	shalt  }
0x63: {  	_ =	shalt  }
0x64: {  	_ =	shalt  }
0x65: {  	_ =	shalt  }
0x66: {  	_ =	shalt  }
0x67: {  	_ =	shalt  }
0x68: {  	_ =	shalt  }
0x69: {  	_ =	shalt  }
0x6a: {  	_ =	shalt  }
0x6b: {  	_ =	shalt  }
0x6c: {  	_ =	shalt  }
0x6d: {  	_ =	shalt  }
0x6e: {  	_ =	shalt  }
0x6f: {  	_ =	shalt  }
0x70: {  	_ =	shalt  }
0x71: {  	_ =	shalt  }
0x72: {  	_ =	shalt  }
0x73: {  	_ =	shalt  }
0x74: {  	_ =	shalt  }
0x75: {  	_ =	shalt  }
0x76: {  	_ =	shalt  }
0x77: {  	_ =	shalt  }
0x78: {  	_ =	shalt  }
0x79: {  	_ =	shalt  }
0x7a: {  	_ =	shalt  }
0x7b: {  	_ =	shalt  }
0x7c: {  	_ =	shalt  }
0x7d: {  	_ =	shalt  }
0x7e: {  	_ =	shalt  }
0x7f: {  	_ =	shalt  }
0x80: {  	_ =	shalt  }
0x81: {  	_ =	shalt  }
0x82: {  	_ =	shalt  }
0x83: {  	_ =	shalt  }
0x84: {  	_ =	shalt  }
0x85: {  	_ =	shalt  }
0x86: {  	_ =	shalt  }
0x87: {  	_ =	shalt  }
.Lfunc_end0:
.L_simem_size_0:
called_computation_lowered:
.L_overlay_start_0:
0x88: {  	s2 =	sld [smem:$0x3FD9]  }
0x89: {  	s3 =	sld [smem:$0x3FFE];
	_ =	sdelay $0x1  }
0x8a: {  	s1 =	srdreg.scid  }
0x8b: {  	s0 =	sand.u32 $0x1, s1  }
0x8c: {  	s17 =	sshll.u32 s0, $0xA;
	s2 =	sadd.s32 s3, s2  }
0x8d: {  	s2 =	sadd.s32 s2, s17  }
0x8e: {  	[smem:$0x3FC2] =	sst s2  }
0x8f: {  	_ = 	snop  }
0x90: {  	s2 =	sld [smem:$0x3FD0];
	(tm) =	ssettm $0x1  }
0x91: {  	s18 =	sld [smem:$0x3FFB];
	_ =	sdelay $0x3  }
0x92: {  	_ =	strace s18  }
0x93: {  	s3 =	sld [smem:$0x3FFC];
	_ =	sdelay $0x3  }
0x94: {  	_ =	strace s3  }
0x95: {  	s3 =	sld [smem:$0x3FFD];
	_ =	sdelay $0x3  }
0x96: {  	_ =	strace s3  }
0x97: {  	_ =	strace $0x8FFFFFFF  }
0x98: {  	s19 =	sld [smem:$0x3FDB];
	_ =	sdelay $0x1  }
0x99: {  	s4 =	simm.s32 $_scs_section_size  }
0x9a: {  	s5 =	simm.s32 $_size__tile_overlayer_lowered;
	s6 =	simm.s32 $_tile_overlayer_lowered  }
0x9b: {  	s22 =	simm.s32 $0x1BFF;
	s21 =	sshll.u32 s6, $0x1;
	s3 =	sadd.s32 s4, s19  }
0x9c: {  	s7 =	simm.s32 $0x0;
	s20 =	sshll.u32 s5, $0x1;
	s5 =	sadd.s32 s21, s3  }
0x9d: {  	[timem:s7], [sflag:s22] =	dma.local [hbm:s5], s20  }
0x9e: {  	_ =	swait.ge [sflag:s22], s20  }
0x9f: {  	s4 =	ssub.s32 $0x0, s20;
	[sflag:s22] =	ssyncset.done $0x0  }
0xa0: {  	[sflag:s22] =	ssyncadd.s32 s4;
	_ =	sdelay $0x1  }
0xa1: {  	s23 =	simm.s32 $0x1B8B  }
0xa2: {  	_ =	swait.ge [sflag:s23], $0x1  }
0xa3: {  	[sflag:s23] =	ssyncset.done $0x0  }
0xa4: {  	s25 =	simm.s32 $0x1B8E;
	s24 =	sld [smem:$0x3FFE];
	[sflag:s23] =	ssyncadd.s32 $0xFFFFFFFF  }
0xa5: {  	s26 =	simm.s32 $execute0_lowered;
	[smem:$0x3FD2] =	sst s25  }
0xa6: {  	s5 =	sshll.u32 s26, $0x1;
	_ =	strace $0x80000046;
	[dreg:$0x1] =	wrdreg $0xFFFFFFFF  }
0xa7: {  	s28 =	simm.s32 $_size_execute0_lowered;
	s3 =	sadd.s32 s3, s5;
	[dreg:$0x0] =	wrdreg $0x0  }
0xa8: {  	s5 =	sshll.u32 s28, $0x1;
	[dreg:$0x2] =	wrdreg s3  }
0xa9: {  	[dreg:$0x3] =	wrdreg s5  }
0xaa: {  	[dreg:$0x4] =	wrdreg $0xC0  }
0xab: {  	_ =	task [dreg:s7], $0x5FFFF  }
0xac: {  	[dreg:$0x1] =	wrdreg $0xFFFFFFFF  }
0xad: {  	[dreg:$0x0] =	wrdreg $0x60  }
0xae: {  	[dreg:$0x2] =	wrdreg s24  }
0xaf: {  	[dreg:$0x3] =	wrdreg s2  }
0xb0: {  	[dreg:$0x4] =	wrdreg $0x91A00  }
0xb1: {  	[dreg:$0x5] =	wrdreg $0x9  }
0xb2: {  	_ =	task.clear_ibuf [dreg:s7], $0x6FFFF;
	_ =	strace $0x90000046  }
0xb3: {  	s29 =	simm.s32 $0x9;
	_ =	strace $0x80000048  }
0xb4: {  	_ =	swait.ge [sflag:s29], $0x1  }
0xb5: {  	[sflag:s29] =	ssyncadd.s32 $0xFFFFFFFF  }
0xb6: {  	_ =	strace $0x90000048  }
0xb7: {  	_ =	sfence  }
0xb8: {  	s30 =	sld [smem:$0x0];
	_ =	sdelay $0x2  }
0xb9: {  	s31 =	sshll.u32 s1, $0xD;
	s1 =	sshrl.u32 s1, $0x2  }
0xba: {  	s3 =	sand.u32 $0x4000, s31;
	s1 =	sadd.s32 s1, s30  }
0xbb: {  	s0 =	sor.u32 s3, s0;
	s1 =	sshll.u32 s1, $0x11  }
0xbc: {  	s0 =	sor.u32 s1, s0  }
0xbd: {  	s0 =	sadd.s32 $0x8F2B, s0  }
0xbe: {  	[sflag:s0] =	ssyncadd.remote.s32 $0x1  }
0xbf: {  	_ =	sfence.sel $0xFFFF  }
0xc0: {  	[dreg:$0x0] =	wrdreg $0xFFFFFFFF;
	(pc) =	sbr.abs _section_cstart, $3  }
0xc1: {  	[dreg:$0x1] =	wrdreg $0xFFFFFFFF  }
0xc2: {  	_ =	task.clear_ibuf [dreg:s7], $0x2FFFF;
	_ =	strace $0x9FFFFFFF  }
0xc3: {  	(tm) =	ssettm $0x7FFFFFFF  }
tec
execute0_lowered:
.L_overlay_start_1:
0x0: {  	(tag) =	ssettag $0x1  }
0x1: {  	s0 =	rddreg [dreg:$0x0]  }
0x2: {  	s1 =	rddreg [dreg:$0x1]  }
0x3: {  	s2 =	rddreg [dreg:$0x2];
	s3 =	srdreg.scid;
	s4 =	simm.s32 $0x0  }
0x4: {  	s8 =	stileid.u32;
	s29 =	simm.s32 $0x50;
	s28 =	simm.s32 $0xA50  }
0x5: {  	s30 =	simm.s32 $0x8;
	s3 =	sand.u32 $0x1, s3;
	s10 =	smul.u32 $0x15F90, s8  }
0x6: {  	[smem:$0x7FF] =	sst s4;
	s5 =	smul.u32 $0x15F900, s3;
	s6 =	sshll.u32 s3, $0x4  }
0x7: {  	_ =	strace $0x80000047;
	s3 =	ssub.s32 $0x2, s3;
	s9 =	sor.u32 s8, s6  }
0x8: {  	s8 =	smul.u32 $0x57E40, s8;
	s6 =	sadd.s32 $0x2CC00, s0;
	s20 =	sshrl.u32 s3, $0x1  }
0x9: {  	s25 =	sadd.s32 s10, s2;
	s7 =	sadd.s32 s10, s5;
	s11 =	smul.u32 $0x2710, s9  }
0xa: {  	s5 =	sadd.s32 $0xC00, s0;
	s3 =	ssub.s32 s3, s20;
	s9 =	smul.u32 $0x7D, s9  }
0xb: {  	s25 =	sshrl.u32 s25, $0x3;
	s7 =	sshrl.u32 s7, $0x3;
	s8 =	sshrl.u32 s8, $0x2  }
0xc: {  	s3 =	smax.u32 s3, $0x1;
	s0 =	sadd.s32 s7, s0;
	s7 =	sadd.s32 s8, s2  }
0xd: {  	s11 =	sshrl.u32 s11, $0x3;
	[dreg:$0x9] =	wrdreg s3;
	s21 =	sadd.s32 $0x13B00, s7  }
0xe: {  	s8 =	sadd.s32 s1, s11;
	s0 =	sadd.s32 $0x2D200, s0;
	[dreg:$0x4] =	wrdreg s21  }
0xf: {  	s26 =	sadd.s32 $0x2D00, s7;
	s31 =	sadd.s32 $0x5A00, s7;
	[dreg:$0x8] =	wrdreg s0  }
.Ltmp0:
0x10: {  	s18 =	sadd.s32 $0x8700, s7;
	[dreg:$0xa] =	wrdreg s26;
	(pc) =	sbr.rel .LBB2_1-.Ltmp0, $4  }
0x11: {  	v0 =	vlaneseq.u32;
	s19 =	sadd.s32 $0xB400, s7;
	s22 =	sadd.s32 $0x9C40, s8;
	[dreg:$0xb] =	wrdreg s31  }
0x12: {  	v2 =	vmul.u32 $0x90, v0;
	s20 =	sadd.s32 $0xE100, s7;
	s23 =	sadd.s32 $0x32, s8;
	[dreg:$0x5] =	wrdreg s22  }
0x13: {  	vm0 =	vmmov $0x1;
	s24 =	sadd.s32 $0x9C72, s8;
	s21 =	sadd.s32 $0x10E00, s7;
	[dreg:$0x6] =	wrdreg s23  }
0x14: {  	v0 =	vimm.f32 $0.0e+00;
	v1 =	vadd.s32 $0x81, v2;
	v2 =	vadd.s32 $0x2481, v2;
	[dreg:$0x7] =	wrdreg s24;
	s22 =	simm.s32 $0xAA0;
	s23 =	simm.s32 $0xA  }
.LBB2_14:
0x15: {  	_ =	swait.ge [sflag:s30], $0x2D00  }
0x16: {  	[sflag:s30] =	ssyncset.done $0x0  }
0x17: {  	s0 =	stileid.u32;
	[sflag:s30] =	ssyncadd.s32 $0xFFFFD300  }
0x18: {  	s0 =	sshll.u32 s0, $0x6;
	[bflag:$0x0] =	sbarrier.arrive $0xFFFF  }
0x19: {  	s0 =	sor.u32 $0x1C0A, s0;
	s3 =	rddreg [dreg:$0x8]  }
0x1a: {  	[hbm:s3], [sflag:s0] =	dma.local [spmem:s25], $0x2BF2  }
0x1b: {  	_ =	swait.ge [sflag:s23], $0x2BF2  }
0x1c: {  	s4 =	sadd.s32 $0x1, s4;
	s31 =	rddreg [dreg:$0x9]  }
0x1d: {  	p0 =	sne.s32 s4, s31  }
.Ltmp1:
0x1e: {  	_ = 	snop;
	(pc) =	sbr.rel @!p0 .LBB2_15-.Ltmp1, $3  }
0x1f: {  	_ =	sdelay $0x1  }
0x20: {  	[sflag:s23] =	ssyncset.done $0x0  }
0x21: {  	[sflag:s23] =	ssyncadd.s32 $0xFFFFD40E  }
.LBB2_1:
0x22: {  	s0 =	simm.s32 $0x0;
	s3 =	simm.s32 $0x240  }
.LBB2_2:
0x23: {  	p0 =	sne.s32 s3, $0xB1C0;
	[tilespmem:s0+$0xB20] =	vst v0  }
0x24: {  	[tilespmem:s0+$0xAA0] =	vst v0  }
0x25: {  	[tilespmem:s0+$0xAB0] =	vst v0  }
0x26: {  	[tilespmem:s0+$0xAC0] =	vst v0  }
.Ltmp2:
0x27: {  	[tilespmem:s0+$0xAD0] =	vst v0;
	(pc) =	sbr.rel @p0 .LBB2_2-.Ltmp2, $4  }
0x28: {  	[tilespmem:s0+$0xAE0] =	vst v0  }
0x29: {  	[tilespmem:s0+$0xAF0] =	vst v0  }
0x2a: {  	[tilespmem:s0+$0xB00] =	vst v0  }
0x2b: {  	[tilespmem:s0+$0xB10] =	vst v0;
	s0 =	sshra.s32 s3, $0x2;
	s3 =	sadd.s32 $0x240, s3  }
0x2c: {  	[tilespmem:s0+$0xB20] =	vst v0  }
0x2d: {  	[tilespmem:s0+$0xAA0] =	vst v0  }
0x2e: {  	[tilespmem:s0+$0xAB0] =	vst v0  }
0x2f: {  	[tilespmem:s0+$0xAC0] =	vst v0  }
0x30: {  	[tilespmem:s0+$0xAD0] =	vst v0  }
0x31: {  	[tilespmem:s0+$0xAE0] =	vst v0  }
0x32: {  	[tilespmem:s0+$0xAF0] =	vst v0  }
0x33: {  	[tilespmem:s0+$0xB00] =	vst v0  }
0x34: {  	[tilespmem:s0+$0xB10] =	vst v0  }
0x35: {  	[spmem:s7] =	stream.linear.scatter [tilespmem:s22], [sflag:$0xA], $0x2D00, $0x38;
	[tilespmem:$0x1F130] =	vst v63  }
0x36: {  	_ =	swait.ge [sflag:s23], $0x2D00  }
0x37: {  	[sflag:s23] =	ssyncset.done $0x0  }
0x38: {  	s3 =	rddreg [dreg:$0xa];
	[sflag:s23] =	ssyncadd.s32 $0xFFFFD300  }
0x39: {  	[spmem:s3] =	stream.linear.scatter [tilespmem:s22], [sflag:$0xA], $0x2D00, $0x38;
	[tilespmem:$0x1F130] =	vst v63  }
0x3a: {  	_ =	swait.ge [sflag:s23], $0x2D00  }
0x3b: {  	[sflag:s23] =	ssyncset.done $0x0  }
0x3c: {  	s10 =	rddreg [dreg:$0xb];
	[sflag:s23] =	ssyncadd.s32 $0xFFFFD300  }
0x3d: {  	[spmem:s10] =	stream.linear.scatter [tilespmem:s22], [sflag:$0xA], $0x2D00, $0x38;
	[tilespmem:$0x1F130] =	vst v63  }
0x3e: {  	_ =	swait.ge [sflag:s23], $0x2D00  }
0x3f: {  	[sflag:s23] =	ssyncset.done $0x0  }
0x40: {  	[sflag:s23] =	ssyncadd.s32 $0xFFFFD300  }
0x41: {  	[spmem:s18] =	stream.linear.scatter [tilespmem:s22], [sflag:$0xA], $0x2D00, $0x38;
	[tilespmem:$0x1F130] =	vst v63  }
0x42: {  	_ =	swait.ge [sflag:s23], $0x2D00  }
0x43: {  	[sflag:s23] =	ssyncset.done $0x0  }
0x44: {  	[sflag:s23] =	ssyncadd.s32 $0xFFFFD300  }
0x45: {  	[spmem:s19] =	stream.linear.scatter [tilespmem:s22], [sflag:$0xA], $0x2D00, $0x38;
	[tilespmem:$0x1F130] =	vst v63  }
0x46: {  	_ =	swait.ge [sflag:s23], $0x2D00  }
0x47: {  	[sflag:s23] =	ssyncset.done $0x0  }
0x48: {  	[sflag:s23] =	ssyncadd.s32 $0xFFFFD300  }
0x49: {  	[spmem:s20] =	stream.linear.scatter [tilespmem:s22], [sflag:$0xA], $0x2D00, $0x38;
	[tilespmem:$0x1F130] =	vst v63  }
0x4a: {  	_ =	swait.ge [sflag:s23], $0x2D00  }
0x4b: {  	[sflag:s23] =	ssyncset.done $0x0  }
0x4c: {  	[sflag:s23] =	ssyncadd.s32 $0xFFFFD300  }
0x4d: {  	[spmem:s21] =	stream.linear.scatter [tilespmem:s22], [sflag:$0xA], $0x2D00, $0x38;
	[tilespmem:$0x1F130] =	vst v63  }
0x4e: {  	_ =	swait.ge [sflag:s23], $0x2D00  }
0x4f: {  	[sflag:s23] =	ssyncset.done $0x0  }
0x50: {  	s11 =	rddreg [dreg:$0x4];
	[sflag:s23] =	ssyncadd.s32 $0xFFFFD300  }
0x51: {  	[spmem:s11] =	stream.linear.scatter [tilespmem:s22], [sflag:$0xA], $0x2490, $0x38;
	[tilespmem:$0x1F130] =	vst v63  }
0x52: {  	_ =	swait.ge [sflag:s23], $0x2490  }
0x53: {  	[sflag:s23] =	ssyncset.done $0x0  }
0x54: {  	[sflag:s23] =	ssyncadd.s32 $0xFFFFDB70  }
0x55: {  	s31 =	simm.s32 $0x0;
	[bflag:$0x0] =	sbarrier.arrive $0xFFFF  }
0x56: {  	[tilespmem:s31], [sflag:$0xA] =	stream.linear.gather [hbm4b:s8+s31], $0x190, $0x38;
	[tilespmem:$0x1F130] =	vst v63  }
0x57: {  	_ =	swait.ge [sflag:s23], $0x190  }
0x58: {  	[sflag:s23] =	ssyncset.done $0x0  }
0x59: {  	s3 =	simm.s32 $0x4B0;
	s12 =	rddreg [dreg:$0x5];
	[sflag:s23] =	ssyncadd.s32 $0xFFFFFE70  }
0x5a: {  	[tilespmem:s3], [sflag:$0xA] =	stream.linear.gather [hbm4b:s12+s31], $0x190, $0x38;
	[tilespmem:$0x1F130] =	vst v63  }
0x5b: {  	_ =	swait.ge [sflag:s23], $0x190  }
0x5c: {  	[sflag:s23] =	ssyncset.done $0x0  }
0x5d: {  	s10 =	simm.s32 $0x190;
	s13 =	rddreg [dreg:$0x6];
	[sflag:s23] =	ssyncadd.s32 $0xFFFFFE70  }
0x5e: {  	[tilespmem:s10], [sflag:$0x2] =	stream.linear.gather [hbm4b:s13+s31], $0x190, $0x38;
	[tilespmem:$0x1F130] =	vst v63  }
0x5f: {  	s15 =	simm.s32 $0x640;
	s14 =	rddreg [dreg:$0x7]  }
0x60: {  	[tilespmem:s15], [sflag:$0x2] =	stream.linear.gather [hbm4b:s14+s31], $0x190, $0x38;
	[tilespmem:$0x1F130] =	vst v63  }
0x61: {  	_ = 	snop  }
0x62: {  	[tilespmem:s22], [sflag:$0x4] =	stream.indirect.gather [hbm4b:s5+s29], $0x90, s31, s29, $0xb8;
	[tilespmem:$0x1F130] =	vst v63  }
0x63: {  	s16 =	simm.s32 $0x960  }
0x64: {  	[tilespmem:s16], [sflag:$0x4] =	stream.indirect.gather [hbm4b:s6+s29], $0x1, s3, s29, $0xb8;
	[tilespmem:$0x1F130] =	vst v63  }
0x65: {  	s17 =	simm.s32 $0x37A0  }
0x66: {  	[tilespmem:s17], [sflag:$0x5] =	stream.indirect.gather [hbm4b:s5+s29], $0x90, s29, s29, $0xb8;
	[tilespmem:$0x1F130] =	vst v63  }
0x67: {  	s24 =	simm.s32 $0x500;
	s26 =	simm.s32 $0x9B0;
	s14 =	simm.s32 $0xCD0  }
0x68: {  	[tilespmem:s26], [sflag:$0x5] =	stream.indirect.gather [hbm4b:s6+s29], $0x1, s24, s29, $0xb8;
	[tilespmem:$0x1F130] =	vst v63  }
.LBB2_4:
0x69: {  	s3 =	smul.u32 $0xAB, s31;
	_ =	sdelay $0x1  }
0x6a: {  	s10 =	sshrl.u32 s3, $0x9  }
0x6b: {  	s0 =	smul.u32 $0xCD, s31;
	s10 =	sand.u32 $0x7F, s10  }
0x6c: {  	s10 =	smul.u32 $0x3, s10  }
0x6d: {  	s11 =	sadd.s32 $0x19A, s0  }
0x6e: {  	s11 =	sshrl.u32 s11, $0xA;
	s10 =	ssub.s32 s31, s10  }
0x6f: {  	s11 =	sand.u32 $0x3F, s11;
	s26 =	sand.u32 $0xFF, s10  }
0x70: {  	s24 =	smul.u32 $0x56, s11;
	s13 =	sor.u32 $0x4, s26  }
0x71: {  	p0 =	seq.s32 s31, $0x0;
	_ =	swait.ge [sflag:s13], $0x2D00  }
.Ltmp3:
0x72: {  	s10 =	sshrl.u32 s24, $0x8;
	[sflag:s13] =	ssyncset.done $0x0;
	(pc) =	sbr.rel @p0 .LBB2_8-.Ltmp3, $4  }
0x73: {  	s10 =	smul.u32 $0x3, s10;
	[sflag:s13] =	ssyncadd.s32 $0xFFFFD300  }
0x74: {  	s12 =	smul.u32 $0x5, s11;
	_ =	swait.ge [sflag:s13], $0x50  }
0x75: {  	s10 =	ssub.s32 s11, s10;
	s11 =	sadd.s32 $0x2, s31;
	[sflag:s13] =	ssyncset.done $0x0  }
0x76: {  	s10 =	sand.u32 $0xFF, s10;
	s12 =	ssub.s32 s11, s12;
	[sflag:s13] =	ssyncadd.s32 $0xFFFFFFB0  }
0x77: {  	s13 =	sadd.s32 $0xFFFFFFFF, s31  }
0x78: {  	s24 =	sand.u32 $0xFF, s13  }
0x79: {  	s24 =	smul.u32 $0xAB, s24;
	_ =	sdelay $0x1  }
0x7a: {  	s24 =	sshrl.u32 s24, $0x9  }
0x7b: {  	s24 =	smul.u32 $0x3, s24  }
0x7c: {  	p0 =	sgt.u32 s31, $0x7A  }
0x7d: {  	s13 =	ssub.s32 s13, s24;
	s24 =	sand.u32 @!p0 $0xFF, s12  }
0x7e: {  	p1 =	sne.s32 @!p0 s24, $0x0  }
0x7f: {  	p1 =	por p0, p1  }
.Ltmp4:
0x80: {  	s13 =	sand.u32 $0xFF, s13;
	(pc) =	sbr.rel @p1 .LBB2_7-.Ltmp4, $4  }
0x81: {  	s13 =	sadd.s32 $0x7, s13  }
0x82: {  	_ =	swait.ge [sflag:s13], $0x2D00  }
0x83: {  	[sflag:s13] =	ssyncset.done $0x0  }
0x84: {  	[sflag:s13] =	ssyncadd.s32 $0xFFFFD300  }
0x85: {  	s13 =	sadd.s32 $0x1, s10  }
0x86: {  	p0 =	sgt.u32 s31, $0x75;
	_ =	swait.ge [sflag:s13], $0x190  }
0x87: {  	s24 =	sadd.s32 @!p0 $0x1, s10;
	s15 =	sadd.s32 @!p0 s9, s11;
	[sflag:s13] =	ssyncset.done $0x0  }
0x88: {  	p1 =	seq.s32 @!p0 s24, $0x3;
	s15 =	smul.u32 @!p0 $0x50, s15;
	[sflag:s13] =	ssyncadd.s32 $0xFFFFFE70  }
0x89: {  	p1 =	por !p1, p0;
	_ =	swait.ge [sflag:s13], $0x190  }
0x8a: {  	s24 =	simm.s32 @!p1 $0x0;
	s15 =	sshrl.u32 @!p0 s15, $0x3;
	[sflag:s13] =	ssyncset.done $0x0  }
0x8b: {  	s15 =	sadd.s32 @!p0 s1, s15;
	[sflag:s13] =	ssyncadd.s32 $0xFFFFFE70;
	s13 =	smul.u32 @!p0 $0x190, s24  }
0x8c: {  	s17 =	simm.s32 @!p0 $0x0;
	s24 =	sadd.s32 @!p0 $0x1, s24;
	s16 =	sadd.s32 @!p0 $0x32, s15  }
0x8d: {  	[tilespmem:s13], [sflag:s24] =	stream.linear.gather @!p0 [hbm4b:s16+s17], $0x190, $0x38;
	[tilespmem:$0x1F130] =	vst v63  }
0x8e: {  	s15 =	sadd.s32 @!p0 $0x9C72, s15;
	s13 =	sadd.s32 @!p0 $0x4B0, s13  }
0x8f: {  	[tilespmem:s13], [sflag:s24] =	stream.linear.gather @!p0 [hbm4b:s15+s17], $0x190, $0x38;
	[tilespmem:$0x1F130] =	vst v63  }
.LBB2_8:
0x90: {  	s3 =	sadd.s32 $0x156, s3  }
0x91: {  	s3 =	sshrl.u32 s3, $0x9  }
0x92: {  	s3 =	sand.u32 $0x7F, s3  }
0x93: {  	s3 =	smul.u32 $0x3, s3;
	_ =	sdelay $0x1  }
0x94: {  	s12 =	sand.u32 $0xFF, s12;
	s10 =	smul.u32 $0x190, s10;
	s3 =	ssub.s32 s11, s3  }
0x95: {  	s12 =	smul.u32 $0x50, s12;
	s3 =	sand.u32 $0xFF, s3  }
0x96: {  	s17 =	smul.u32 $0xB400, s3  }
0x97: {  	s24 =	sadd.s32 $0x4, s3;
	s3 =	smul.u32 $0x140, s3  }
0x98: {  	s11 =	sshrl.u32 s17, $0x2  }
0x99: {  	s10 =	sadd.s32 s12, s10;
	s3 =	sshrl.u32 s3, $0x2;
	s11 =	sadd.s32 $0xAA0, s11  }
0x9a: {  	[tilespmem:s11], [sflag:s24] =	stream.indirect.gather [hbm4b:s5+s29], $0x90, s10, s29, $0xb8;
	[tilespmem:$0x1F130] =	vst v63  }
0x9b: {  	s3 =	sadd.s32 $0x960, s3;
	s10 =	sadd.s32 $0x4B0, s10  }
0x9c: {  	[tilespmem:s3], [sflag:s24] =	stream.indirect.gather [hbm4b:s6+s29], $0x1, s10, s29, $0xb8;
	[tilespmem:$0x1F130] =	vst v63  }
.LBB2_9:
0x9d: {  	s0 =	sshrl.u32 s0, $0xA  }
0x9e: {  	s10 =	smulhi.u32 $0xAAAAAAAB, s31;
	s3 =	sand.u32 $0x3F, s0  }
0x9f: {  	s0 =	smul.u32 $0x56, s3  }
0xa0: {  	s12 =	smul.u32 $0x140, s26  }
0xa1: {  	s13 =	smul.u32 $0x5, s3;
	s0 =	sshrl.u32 s0, $0x8  }
0xa2: {  	s17 =	sshrl.u32 s10, $0x1;
	s10 =	sshrl.u32 s12, $0x2;
	s11 =	smul.u32 $0x3, s0  }
0xa3: {  	p0 =	por $0x1, $0x1;
	s12 =	sadd.s32 $0x960, s10  }
0xa4: {  	v3 =	vmov s26;
	s24 =	ssub.s32 s31, s13;
	s0 =	smul.u32 $0xFFFDE400, s17;
	s3 =	ssub.s32 s3, s11  }
0xa5: {  	v3 =	vmul.u32 $0x2D00, v3;
	v4 =	vmov s12;
	s24 =	sand.u32 $0xFF, s24;
	s11 =	simm.s32 $0x0;
	s3 =	sand.u32 $0xFF, s3  }
.LBB2_10:
0xa6: {  	v5 =	vmov s11;
	s12 =	sor.u32 $0x10, s11  }
0xa7: {  	v5 =	vmul.u32 $0x90, v5;
	v6 =	vmov s12  }
0xa8: {  	v6 =	vmul.u32 $0x90, v6  }
0xa9: {  	v5 =	vadd.s32 v3, v5  }
0xaa: {  	v5 =	vbroadcast v5, $0x0;
	v6 =	vadd.s32 v3, v6  }
0xab: {  	v6 =	vbroadcast v6, $0x0  }
0xac: {  	v5 =	vadd.s32 v1, v5  }
0xad: {  	v6 =	vadd.s32 v1, v6;
	_ =	sdelay $0x1  }
0xae: {  	v7 =	vld.idx.msk [tilespmem:v4+s11+$0x0 ss:$0x1], $0xffff  }
0xaf: {  	v8 =	vld.idx.msk [tilespmem:v4+s12+$0x0 ss:$0x1], $0xffff  }
0xb0: {  	v5 =	vld.idx.msk [tilespmem:v5+s22+$0x0], $0xffff  }
0xb1: {  	v6 =	vld.idx.msk [tilespmem:v6+s22+$0x0], $0xffff;
	_ =	sdelay $0x3  }
0xb2: {  	v5 =	vadd.f32 v7, v5  }
0xb3: {  	v6 =	vadd.f32 v8, v6  }
0xb4: {  	v7 =	vmul.f32 $2.000000030e-01, v5  }
0xb5: {  	vm1 =	vge.f32 v5, $0.0e+00;
	v8 =	vmul.f32 $2.000000030e-01, v6  }
0xb6: {  	v5 =	vsel vm1, v5, v7;
	vm1 =	vge.f32 v6, $0.0e+00  }
0xb7: {  	v6 =	vsel vm1, v6, v8;
	v5 =	vmul.f32 $1.442695020e+00, v5  }
0xb8: {  	v6 =	vmul.f32 $1.442695020e+00, v6  }
0xb9: {  	(erf) = vpow2.f32 v5  }
0xba: {  	(erf) = vpow2.f32 v6;
	_ =	sdelay $0x4  }
0xbb: {  	p1 =	por p0, p0  }
.Ltmp5:
0xbc: {  	_ = 	snop;
	(pc) =	sbr.rel @p1 .LBB2_10-.Ltmp5, $4  }
0xbd: {  	_ = 	snop  }
0xbe: {  	v5 =	vpop (erf)  }
0xbf: {  	[tilespmem:s11+$0xA50] =	vst v5;
	v5 =	vpop (erf)  }
0xc0: {  	p0 =	por $0x0, $0x0;
	[tilespmem:s11+$0xA60] =	vst v5;
	s11 =	simm.s32 $0x20  }
0xc1: {  	v3 =	vbroadcast v3, $0x0;
	_ =	sdelay $0x1  }
0xc2: {  	v3 =	vadd.s32 v2, v3;
	_ =	sdelay $0x3  }
0xc3: {  	v4 =	vld [tilespmem:s10+$0x9A0]  }
0xc4: {  	v3 =	vld.idx.msk [tilespmem:v3+s22+$0x0], $0xffff;
	_ =	sdelay $0x4  }
0xc5: {  	v3 =	vadd.f32 v4, v3;
	_ =	sdelay $0x1  }
0xc6: {  	v4 =	vmul.f32 $2.000000030e-01, v3  }
0xc7: {  	vm1 =	vge.f32 v3, $0.0e+00  }
0xc8: {  	v3 =	vsel vm1, v3, v4  }
0xc9: {  	v3 =	vmul.f32 $1.442695020e+00, v3;
	_ =	sdelay $0x1  }
0xca: {  	(erf) = vpow2.f32 v3;
	_ =	sdelay $0x3  }
0xcb: {  	s16 =	simm.s32 $0x2;
	s17 =	simm.s32 $0x3  }
0xcc: {  	s11 =	simm.s32 $0x0;
	s10 =	simm.s32 $0x1;
	v5 =	vmov s17;
	v4 =	vmov s16  }
0xcd: {  	s0 =	sshra.s32 s0, $0x2;
	v6 =	vmov s11;
	v7 =	vmov s10;
	v4 =	vand.u32 $0xFFFFFFFE, v4  }
0xce: {  	v6 =	vand.u32 $0xFFFFFFFC, v6;
	v4 =	vbroadcast v4, $0x0;
	v3 =	vmov s0  }
0xcf: {  	v7 =	vand.u32 $0xFFFFFFFD, v7;
	v6 =	vbroadcast v6, $0x0  }
0xd0: {  	v7 =	vbroadcast v7, $0x0;
	v8 =	vpop (erf)  }
0xd1: {  	[tilespmem:$0xA90] =	vst v8  }
0xd2: {  	v9 =	vld.idx.msk [tilespmem:v5+s28+$0x0], $0xffff  }
0xd3: {  	v5 =	vld.idx.msk [tilespmem:v3+s14+$0xFFFFFEF0 ss:$0x1], $0xffff  }
0xd4: {  	v15 =	vld.idx.msk [tilespmem:v4+s28+$0x0], $0xffff  }
0xd5: {  	v12 =	vld.idx.msk [tilespmem:v6+s28+$0x0], $0xffff  }
0xd6: {  	v14 =	vld.idx.msk [tilespmem:v7+s28+$0x0], $0xffff  }
0xd7: {  	v6 =	vld.idx.msk [tilespmem:v3+s14+$0xFFFFFE60 ss:$0x1], $0xffff  }
0xd8: {  	v4 =	vld.idx.msk [tilespmem:v3+s14+$0xFFFFFDD0 ss:$0x1], $0xffff;
	_ =	sdelay $0x1  }
0xd9: {  	v7 =	vld.idx.msk [tilespmem:v3+s14+$0xFFFFFF80 ss:$0x1], $0xffff;
	v5 =	vmul.f32 v5, v15;
	_ =	sdelay $0x1  }
0xda: {  	v6 =	vmul.f32 v6, v14;
	[tilespmem:v3+s14+$0xFFFFFEF0 ss:$0x1] =	vst.idx.msk $0xffff, v5  }
0xdb: {  	v4 =	vmul.f32 v4, v12;
	v5 =	vld.idx.msk [tilespmem:v3+s14+$0xFFFFFF00 ss:$0x1], $0xffff  }
0xdc: {  	[tilespmem:v3+s14+$0xFFFFFE60 ss:$0x1] =	vst.idx.msk $0xffff, v6  }
0xdd: {  	[tilespmem:v3+s14+$0xFFFFFDD0 ss:$0x1] =	vst.idx.msk $0xffff, v4;
	v4 =	vmul.f32 v7, v9;
	v6 =	vld.idx.msk [tilespmem:v3+s14+$0xFFFFFE70 ss:$0x1], $0xffff  }
0xde: {  	v7 =	vld.idx.msk [tilespmem:v3+s14+$0xFFFFFDE0 ss:$0x1], $0xffff  }
0xdf: {  	[tilespmem:v3+s14+$0xFFFFFF80 ss:$0x1] =	vst.idx.msk $0xffff, v4  }
0xe0: {  	v4 =	vld.idx.msk [tilespmem:v3+s14+$0xFFFFFF90 ss:$0x1], $0xffff;
	v5 =	vmul.f32 v5, v15;
	_ =	sdelay $0x1  }
0xe1: {  	v6 =	vmul.f32 v6, v14;
	[tilespmem:v3+s14+$0xFFFFFF00 ss:$0x1] =	vst.idx.msk $0xffff, v5  }
0xe2: {  	s13 =	simm.s32 $0x5;
	s11 =	simm.s32 $0x4;
	v5 =	vmul.f32 v7, v12;
	v7 =	vld.idx.msk [tilespmem:v3+s14+$0xFFFFFF10 ss:$0x1], $0xffff  }
0xe3: {  	s12 =	simm.s32 $0x7;
	v11 =	vmov s13;
	v10 =	vmov s11;
	[tilespmem:v3+s14+$0xFFFFFE70 ss:$0x1] =	vst.idx.msk $0xffff, v6  }
0xe4: {  	v10 =	vand.u32 $0xFFFFFFFC, v10;
	v8 =	vmov s12;
	v4 =	vmul.f32 v4, v9;
	v13 =	vld.idx.msk [tilespmem:v3+s14+$0xFFFFFE80 ss:$0x1], $0xffff;
	[tilespmem:v3+s14+$0xFFFFFDE0 ss:$0x1] =	vst.idx.msk $0xffff, v5  }
0xe5: {  	v10 =	vbroadcast v10, $0x0;
	v5 =	vand.u32 $0xFFFFFFFD, v11;
	v11 =	vld.idx.msk [tilespmem:v3+s14+$0xFFFFFDF0 ss:$0x1], $0xffff  }
0xe6: {  	[tilespmem:v3+s14+$0xFFFFFF90 ss:$0x1] =	vst.idx.msk $0xffff, v4;
	v6 =	vbroadcast v5, $0x0  }
0xe7: {  	s10 =	sadd.s32 $0x240, s14;
	v4 =	vld.idx.msk [tilespmem:v3+s14+$0xFFFFFFA0 ss:$0x1], $0xffff;
	v7 =	vmul.f32 v7, v15  }
0xe8: {  	s15 =	simm.s32 $0x6;
	v17 =	vld.idx.msk [tilespmem:v3+s10+$0xFFFFFEF0 ss:$0x1], $0xffff  }
0xe9: {  	v5 =	vld.idx.msk [tilespmem:v8+s28+$0x0], $0xffff;
	[tilespmem:v3+s14+$0xFFFFFF10 ss:$0x1] =	vst.idx.msk $0xffff, v7;
	v7 =	vmov s15  }
0xea: {  	v13 =	vmul.f32 v13, v14;
	v8 =	vmul.f32 v11, v12;
	v11 =	vld.idx.msk [tilespmem:v3+s14+$0xFFFFFF20 ss:$0x1], $0xffff;
	v16 =	vand.u32 $0xFFFFFFFE, v7  }
0xeb: {  	v7 =	vld.idx.msk [tilespmem:v10+s28+$0x0], $0xffff;
	v16 =	vbroadcast v16, $0x0  }
0xec: {  	v4 =	vmul.f32 v4, v9;
	[tilespmem:v3+s14+$0xFFFFFE80 ss:$0x1] =	vst.idx.msk $0xffff, v13;
	v10 =	vld.idx.msk [tilespmem:v6+s28+$0x0], $0xffff  }
0xed: {  	[tilespmem:v3+s14+$0xFFFFFDF0 ss:$0x1] =	vst.idx.msk $0xffff, v8;
	v8 =	vld.idx.msk [tilespmem:v3+s14+$0xFFFFFE90 ss:$0x1], $0xffff  }
0xee: {  	[tilespmem:v3+s14+$0xFFFFFFA0 ss:$0x1] =	vst.idx.msk $0xffff, v4;
	v6 =	vld.idx.msk [tilespmem:v3+s14+$0xFFFFFE00 ss:$0x1], $0xffff  }
0xef: {  	v4 =	vld.idx.msk [tilespmem:v3+s14+$0xFFFFFFB0 ss:$0x1], $0xffff  }
0xf0: {  	s16 =	simm.s32 $0xB;
	v19 =	vld.idx.msk [tilespmem:v3+s10+$0xFFFFFE60 ss:$0x1], $0xffff;
	v11 =	vmul.f32 v11, v15  }
0xf1: {  	v18 =	vmov s16;
	v13 =	vld.idx.msk [tilespmem:v16+s28+$0x0], $0xffff  }
0xf2: {  	v8 =	vmul.f32 v8, v14;
	[tilespmem:v3+s14+$0xFFFFFF20 ss:$0x1] =	vst.idx.msk $0xffff, v11;
	v16 =	vld.idx.msk [tilespmem:v3+s10+$0xFFFFFDD0 ss:$0x1], $0xffff  }
0xf3: {  	v6 =	vmul.f32 v6, v12;
	v11 =	vld.idx.msk [tilespmem:v3+s14+$0xFFFFFF30 ss:$0x1], $0xffff  }
0xf4: {  	v4 =	vmul.f32 v4, v9;
	[tilespmem:v3+s14+$0xFFFFFE90 ss:$0x1] =	vst.idx.msk $0xffff, v8;
	v8 =	vld.idx.msk [tilespmem:v3+s10+$0xFFFFFF80 ss:$0x1], $0xffff  }
0xf5: {  	[tilespmem:v3+s14+$0xFFFFFE00 ss:$0x1] =	vst.idx.msk $0xffff, v6;
	v6 =	vld.idx.msk [tilespmem:v3+s14+$0xFFFFFEA0 ss:$0x1], $0xffff  }
0xf6: {  	[tilespmem:v3+s14+$0xFFFFFFB0 ss:$0x1] =	vst.idx.msk $0xffff, v4;
	v4 =	vld.idx.msk [tilespmem:v18+s28+$0x0], $0xffff;
	v18 =	vmul.f32 v19, v10  }
0xf7: {  	v20 =	vld.idx.msk [tilespmem:v3+s14+$0xFFFFFE10 ss:$0x1], $0xffff;
	v17 =	vmul.f32 v17, v13  }
0xf8: {  	v21 =	vld.idx.msk [tilespmem:v3+s14+$0xFFFFFFC0 ss:$0x1], $0xffff;
	[tilespmem:v3+s10+$0xFFFFFE60 ss:$0x1] =	vst.idx.msk $0xffff, v18;
	v16 =	vmul.f32 v16, v7  }
0xf9: {  	s17 =	simm.s32 $0x8;
	v18 =	vld.idx.msk [tilespmem:v3+s10+$0xFFFFFE70 ss:$0x1], $0xffff;
	v11 =	vmul.f32 v11, v15;
	[tilespmem:v3+s10+$0xFFFFFEF0 ss:$0x1] =	vst.idx.msk $0xffff, v17  }
0xfa: {  	v8 =	vmul.f32 v8, v5;
	v17 =	vmov s17;
	[tilespmem:v3+s10+$0xFFFFFDD0 ss:$0x1] =	vst.idx.msk $0xffff, v16;
	v19 =	vld.idx.msk [tilespmem:v3+s10+$0xFFFFFF00 ss:$0x1], $0xffff  }
0xfb: {  	v6 =	vmul.f32 v6, v14;
	[tilespmem:v3+s14+$0xFFFFFF30 ss:$0x1] =	vst.idx.msk $0xffff, v11;
	v11 =	vand.u32 $0xFFFFFFFC, v17;
	v17 =	vld.idx.msk [tilespmem:v3+s10+$0xFFFFFDE0 ss:$0x1], $0xffff  }
0xfc: {  	[tilespmem:v3+s10+$0xFFFFFF80 ss:$0x1] =	vst.idx.msk $0xffff, v8;
	v8 =	vmul.f32 v20, v12;
	v16 =	vld.idx.msk [tilespmem:v3+s14+$0xFFFFFF40 ss:$0x1], $0xffff;
	v11 =	vbroadcast v11, $0x0  }
0xfd: {  	v20 =	vld.idx.msk [tilespmem:v3+s10+$0xFFFFFF90 ss:$0x1], $0xffff;
	[tilespmem:v3+s14+$0xFFFFFEA0 ss:$0x1] =	vst.idx.msk $0xffff, v6;
	v6 =	vmul.f32 v21, v9  }
0xfe: {  	[tilespmem:v3+s14+$0xFFFFFE10 ss:$0x1] =	vst.idx.msk $0xffff, v8;
	v8 =	vld.idx.msk [tilespmem:v3+s14+$0xFFFFFEB0 ss:$0x1], $0xffff;
	v18 =	vmul.f32 v18, v10  }
0xff: {  	v21 =	vld.idx.msk [tilespmem:v3+s14+$0xFFFFFE20 ss:$0x1], $0xffff;
	[tilespmem:v3+s14+$0xFFFFFFC0 ss:$0x1] =	vst.idx.msk $0xffff, v6  }
0x100: {  	v22 =	vld.idx.msk [tilespmem:v3+s14+$0xFFFFFFD0 ss:$0x1], $0xffff;
	[tilespmem:v3+s10+$0xFFFFFE70 ss:$0x1] =	vst.idx.msk $0xffff, v18;
	v19 =	vmul.f32 v19, v13  }
0x101: {  	v18 =	vld.idx.msk [tilespmem:v3+s10+$0xFFFFFE80 ss:$0x1], $0xffff;
	v16 =	vmul.f32 v16, v15  }
0x102: {  	s11 =	simm.s32 $0x9;
	v6 =	vld.idx.msk [tilespmem:v11+s28+$0x0], $0xffff;
	v11 =	vmul.f32 v17, v7;
	[tilespmem:v3+s10+$0xFFFFFF00 ss:$0x1] =	vst.idx.msk $0xffff, v19  }
0x103: {  	v17 =	vmov s11;
	v8 =	vmul.f32 v8, v14;
	s11 =	sadd.s32 $0x240, s10;
	v19 =	vld.idx.msk [tilespmem:v3+s10+$0xFFFFFF10 ss:$0x1], $0xffff;
	[tilespmem:v3+s14+$0xFFFFFF40 ss:$0x1] =	vst.idx.msk $0xffff, v16  }
0x104: {  	v16 =	vand.u32 $0xFFFFFFFD, v17;
	v25 =	vld.idx.msk [tilespmem:v3+s11+$0xFFFFFEF0 ss:$0x1], $0xffff;
	[tilespmem:v3+s10+$0xFFFFFDE0 ss:$0x1] =	vst.idx.msk $0xffff, v11;
	v11 =	vmul.f32 v20, v5  }
0x105: {  	v17 =	vld.idx.msk [tilespmem:v3+s14+$0xFFFFFF50 ss:$0x1], $0xffff;
	v16 =	vbroadcast v16, $0x0;
	[tilespmem:v3+s14+$0xFFFFFEB0 ss:$0x1] =	vst.idx.msk $0xffff, v8;
	v8 =	vmul.f32 v22, v9  }
0x106: {  	v20 =	vld.idx.msk [tilespmem:v3+s10+$0xFFFFFDF0 ss:$0x1], $0xffff;
	[tilespmem:v3+s10+$0xFFFFFF90 ss:$0x1] =	vst.idx.msk $0xffff, v11  }
0x107: {  	v11 =	vmul.f32 v21, v12;
	[tilespmem:v3+s14+$0xFFFFFFD0 ss:$0x1] =	vst.idx.msk $0xffff, v8;
	v21 =	vld.idx.msk [tilespmem:v3+s10+$0xFFFFFFA0 ss:$0x1], $0xffff  }
0x108: {  	v18 =	vmul.f32 v18, v10;
	v23 =	vld.idx.msk [tilespmem:v3+s14+$0xFFFFFFE0 ss:$0x1], $0xffff  }
0x109: {  	[tilespmem:v3+s14+$0xFFFFFE20 ss:$0x1] =	vst.idx.msk $0xffff, v11;
	v11 =	vld.idx.msk [tilespmem:v3+s14+$0xFFFFFEC0 ss:$0x1], $0xffff;
	v19 =	vmul.f32 v19, v13  }
0x10a: {  	[tilespmem:v3+s10+$0xFFFFFE80 ss:$0x1] =	vst.idx.msk $0xffff, v18;
	v22 =	vld.idx.msk [tilespmem:v3+s14+$0xFFFFFE30 ss:$0x1], $0xffff;
	v17 =	vmul.f32 v17, v15  }
0x10b: {  	s12 =	simm.s32 $0xA;
	v8 =	vld.idx.msk [tilespmem:v16+s28+$0x0], $0xffff;
	v16 =	vmul.f32 v20, v7;
	[tilespmem:v3+s10+$0xFFFFFF10 ss:$0x1] =	vst.idx.msk $0xffff, v19  }
0x10c: {  	v19 =	vld.idx.msk [tilespmem:v3+s10+$0xFFFFFF20 ss:$0x1], $0xffff;
	[tilespmem:v3+s14+$0xFFFFFF50 ss:$0x1] =	vst.idx.msk $0xffff, v17;
	v17 =	vmov s12  }
0x10d: {  	[tilespmem:v3+s10+$0xFFFFFDF0 ss:$0x1] =	vst.idx.msk $0xffff, v16;
	v16 =	vmul.f32 v21, v5;
	v20 =	vld.idx.msk [tilespmem:v3+s14+$0xFFFFFF60 ss:$0x1], $0xffff;
	v17 =	vand.u32 $0xFFFFFFFE, v17  }
0x10e: {  	v18 =	vld.idx.msk [tilespmem:v3+s10+$0xFFFFFE90 ss:$0x1], $0xffff;
	v11 =	vmul.f32 v11, v14;
	v17 =	vbroadcast v17, $0x0  }
0x10f: {  	v21 =	vld.idx.msk [tilespmem:v3+s10+$0xFFFFFE00 ss:$0x1], $0xffff;
	[tilespmem:v3+s10+$0xFFFFFFA0 ss:$0x1] =	vst.idx.msk $0xffff, v16;
	v16 =	vmul.f32 v22, v12  }
0x110: {  	v22 =	vld.idx.msk [tilespmem:v3+s10+$0xFFFFFFB0 ss:$0x1], $0xffff;
	[tilespmem:v3+s14+$0xFFFFFEC0 ss:$0x1] =	vst.idx.msk $0xffff, v11;
	v11 =	vmul.f32 v23, v9  }
0x111: {  	[tilespmem:v3+s14+$0xFFFFFE30 ss:$0x1] =	vst.idx.msk $0xffff, v16;
	v16 =	vld.idx.msk [tilespmem:v3+s14+$0xFFFFFED0 ss:$0x1], $0xffff;
	v19 =	vmul.f32 v19, v13  }
0x112: {  	v23 =	vld.idx.msk [tilespmem:v3+s14+$0xFFFFFE40 ss:$0x1], $0xffff;
	[tilespmem:v3+s14+$0xFFFFFFE0 ss:$0x1] =	vst.idx.msk $0xffff, v11;
	v20 =	vmul.f32 v20, v15  }
0x113: {  	v24 =	vld.idx.msk [tilespmem:v3+s14+$0xFFFFFFF0 ss:$0x1], $0xffff;
	[tilespmem:v3+s10+$0xFFFFFF20 ss:$0x1] =	vst.idx.msk $0xffff, v19  }
0x114: {  	v15 =	vnsel vm0, $0x0, v15;
	v11 =	vld.idx.msk [tilespmem:v17+s28+$0x0], $0xffff;
	v17 =	vmul.f32 v18, v10;
	[tilespmem:v3+s14+$0xFFFFFF60 ss:$0x1] =	vst.idx.msk $0xffff, v20  }
0x115: {  	v18 =	vmul.f32 v21, v7;
	v19 =	vld.idx.msk [tilespmem:v3+s10+$0xFFFFFF30 ss:$0x1], $0xffff;
	[tilespmem:v3+s14+$0xFFFFFF70 ss:$0x1] =	vst.idx.msk $0xffff, v15  }
0x116: {  	s13 =	simm.s32 $0xF;
	v20 =	vld.idx.msk [tilespmem:v3+s11+$0xFFFFFDD0 ss:$0x1], $0xffff;
	v15 =	vmul.f32 v22, v5;
	[tilespmem:v3+s10+$0xFFFFFE90 ss:$0x1] =	vst.idx.msk $0xffff, v17  }
0x117: {  	v21 =	vld.idx.msk [tilespmem:v3+s11+$0xFFFFFE60 ss:$0x1], $0xffff;
	v16 =	vmul.f32 v16, v14;
	v17 =	vmov s13;
	[tilespmem:v3+s10+$0xFFFFFE00 ss:$0x1] =	vst.idx.msk $0xffff, v18  }
0x118: {  	v18 =	vld.idx.msk [tilespmem:v3+s11+$0xFFFFFF80 ss:$0x1], $0xffff;
	[tilespmem:v3+s10+$0xFFFFFFB0 ss:$0x1] =	vst.idx.msk $0xffff, v15  }
0x119: {  	v14 =	vnsel vm0, $0x0, v14;
	v15 =	vmul.f32 v23, v12;
	v22 =	vld.idx.msk [tilespmem:v3+s10+$0xFFFFFEA0 ss:$0x1], $0xffff;
	[tilespmem:v3+s14+$0xFFFFFED0 ss:$0x1] =	vst.idx.msk $0xffff, v16  }
0x11a: {  	v23 =	vld.idx.msk [tilespmem:v3+s10+$0xFFFFFE10 ss:$0x1], $0xffff;
	v16 =	vmul.f32 v25, v11;
	[tilespmem:v3+s14+$0xFFFFFEE0 ss:$0x1] =	vst.idx.msk $0xffff, v14  }
0x11b: {  	v61 =	vld.idx.msk [tilespmem:v3+s10+$0xFFFFFFC0 ss:$0x1], $0xffff;
	v19 =	vmul.f32 v19, v13;
	[tilespmem:v3+s14+$0xFFFFFE40 ss:$0x1] =	vst.idx.msk $0xffff, v15  }
0x11c: {  	s15 =	simm.s32 $0xC;
	v15 =	vmul.f32 v20, v6;
	v14 =	vld.idx.msk [tilespmem:v17+s28+$0x0], $0xffff;
	[tilespmem:v3+s11+$0xFFFFFEF0 ss:$0x1] =	vst.idx.msk $0xffff, v16  }
0x11d: {  	v16 =	vmov s15;
	v17 =	vmul.f32 v21, v8;
	[tilespmem:v3+s10+$0xFFFFFF30 ss:$0x1] =	vst.idx.msk $0xffff, v19;
	v20 =	vld.idx.msk [tilespmem:v3+s11+$0xFFFFFF00 ss:$0x1], $0xffff  }
0x11e: {  	[tilespmem:v3+s11+$0xFFFFFDD0 ss:$0x1] =	vst.idx.msk $0xffff, v15;
	v15 =	vmul.f32 v18, v4;
	v16 =	vand.u32 $0xFFFFFFFC, v16;
	v18 =	vld.idx.msk [tilespmem:v3+s10+$0xFFFFFF40 ss:$0x1], $0xffff  }
0x11f: {  	v19 =	vld.idx.msk [tilespmem:v3+s11+$0xFFFFFDE0 ss:$0x1], $0xffff;
	v16 =	vbroadcast v16, $0x0;
	[tilespmem:v3+s11+$0xFFFFFE60 ss:$0x1] =	vst.idx.msk $0xffff, v17;
	v17 =	vmul.f32 v22, v10  }
0x120: {  	[tilespmem:v3+s11+$0xFFFFFF80 ss:$0x1] =	vst.idx.msk $0xffff, v15;
	v15 =	vmul.f32 v23, v7;
	v21 =	vld.idx.msk [tilespmem:v3+s11+$0xFFFFFE70 ss:$0x1], $0xffff  }
0x121: {  	v22 =	vld.idx.msk [tilespmem:v3+s11+$0xFFFFFF90 ss:$0x1], $0xffff;
	[tilespmem:v3+s10+$0xFFFFFEA0 ss:$0x1] =	vst.idx.msk $0xffff, v17;
	v17 =	vmul.f32 v61, v5  }
0x122: {  	[tilespmem:v3+s10+$0xFFFFFE10 ss:$0x1] =	vst.idx.msk $0xffff, v15;
	v15 =	vld.idx.msk [tilespmem:v3+s10+$0xFFFFFEB0 ss:$0x1], $0xffff  }
0x123: {  	v12 =	vnsel vm0, $0x0, v12;
	v23 =	vld.idx.msk [tilespmem:v3+s10+$0xFFFFFE20 ss:$0x1], $0xffff;
	v20 =	vmul.f32 v20, v11;
	[tilespmem:v3+s10+$0xFFFFFFC0 ss:$0x1] =	vst.idx.msk $0xffff, v17  }
0x124: {  	[tilespmem:v3+s14+$0xFFFFFE50 ss:$0x1] =	vst.idx.msk $0xffff, v12;
	v17 =	vmul.f32 v18, v13;
	v18 =	vld.idx.msk [tilespmem:v3+s10+$0xFFFFFFD0 ss:$0x1], $0xffff  }
0x125: {  	s16 =	simm.s32 $0xD;
	v12 =	vld.idx.msk [tilespmem:v16+s28+$0x0], $0xffff;
	v16 =	vmul.f32 v19, v6;
	[tilespmem:v3+s11+$0xFFFFFF00 ss:$0x1] =	vst.idx.msk $0xffff, v20  }
0x126: {  	v19 =	vmov s16;
	v20 =	vmul.f32 v21, v8;
	[tilespmem:v3+s10+$0xFFFFFF40 ss:$0x1] =	vst.idx.msk $0xffff, v17;
	v21 =	vld.idx.msk [tilespmem:v3+s11+$0xFFFFFF10 ss:$0x1], $0xffff  }
0x127: {  	v17 =	vand.u32 $0xFFFFFFFD, v19;
	v19 =	vld.idx.msk [tilespmem:v3+s10+$0xFFFFFF50 ss:$0x1], $0xffff;
	[tilespmem:v3+s11+$0xFFFFFDE0 ss:$0x1] =	vst.idx.msk $0xffff, v16;
	v16 =	vmul.f32 v22, v4  }
0x128: {  	v17 =	vbroadcast v17, $0x0;
	[tilespmem:v3+s11+$0xFFFFFE70 ss:$0x1] =	vst.idx.msk $0xffff, v20;
	v15 =	vmul.f32 v15, v10;
	v22 =	vld.idx.msk [tilespmem:v3+s11+$0xFFFFFDF0 ss:$0x1], $0xffff  }
0x129: {  	v20 =	vld.idx.msk [tilespmem:v3+s11+$0xFFFFFE80 ss:$0x1], $0xffff;
	[tilespmem:v3+s11+$0xFFFFFF90 ss:$0x1] =	vst.idx.msk $0xffff, v16;
	v16 =	vmul.f32 v23, v7  }
0x12a: {  	[tilespmem:v3+s10+$0xFFFFFEB0 ss:$0x1] =	vst.idx.msk $0xffff, v15;
	v15 =	vmul.f32 v18, v5;
	v23 =	vld.idx.msk [tilespmem:v3+s11+$0xFFFFFFA0 ss:$0x1], $0xffff  }
0x12b: {  	v24 =	vmul.f32 v24, v9;
	v62 =	vld.idx.msk [tilespmem:v3+s10+$0xFFFFFEC0 ss:$0x1], $0xffff;
	[tilespmem:v3+s10+$0xFFFFFE20 ss:$0x1] =	vst.idx.msk $0xffff, v16  }
0x12c: {  	v21 =	vmul.f32 v21, v11;
	[tilespmem:v3+s10+$0xFFFFFFD0 ss:$0x1] =	vst.idx.msk $0xffff, v15;
	v16 =	vld.idx.msk [tilespmem:v3+s10+$0xFFFFFE30 ss:$0x1], $0xffff  }
0x12d: {  	[tilespmem:v3+s14+$0xFFFFFFF0 ss:$0x1] =	vst.idx.msk $0xffff, v24;
	v26 =	vmul.f32 v19, v13;
	v18 =	vld.idx.msk [tilespmem:v3+s10+$0xFFFFFFE0 ss:$0x1], $0xffff  }
0x12e: {  	s17 =	smul.u32 $0xB400, s26;
	v15 =	vld.idx.msk [tilespmem:v17+s28+$0x0], $0xffff;
	v17 =	vmul.f32 v22, v6;
	[tilespmem:v3+s11+$0xFFFFFF10 ss:$0x1] =	vst.idx.msk $0xffff, v21  }
0x12f: {  	s12 =	simm.s32 $0xE;
	v22 =	vmul.f32 v20, v8;
	[tilespmem:v3+s10+$0xFFFFFF50 ss:$0x1] =	vst.idx.msk $0xffff, v26;
	v19 =	vld.idx.msk [tilespmem:v3+s11+$0xFFFFFF20 ss:$0x1], $0xffff  }
0x130: {  	s0 =	sshrl.u32 s17, $0x2;
	v63 =	vmov s12;
	v20 =	vld.idx.msk [tilespmem:v3+s10+$0xFFFFFF60 ss:$0x1], $0xffff;
	[tilespmem:v3+s11+$0xFFFFFDF0 ss:$0x1] =	vst.idx.msk $0xffff, v17;
	v21 =	vmul.f32 v23, v4  }
0x131: {  	s12 =	sadd.s32 $0xAA0, s0;
	s0 =	smov.u32 s14;
	s13 =	simm.s32 $0x10;
	v23 =	vand.u32 $0xFFFFFFFE, v63;
	[tilespmem:v3+s11+$0xFFFFFE80 ss:$0x1] =	vst.idx.msk $0xffff, v22;
	v22 =	vmul.f32 v62, v10;
	v17 =	vld.idx.msk [tilespmem:v3+s11+$0xFFFFFE00 ss:$0x1], $0xffff  }
.LBB2_12:
0x132: {  	p0 =	slt.u32 s13, $0x4C;
	v23 =	vbroadcast v23, $0x0;
	v24 =	vld.idx.msk [tilespmem:v3+s11+$0xFFFFFE90 ss:$0x1], $0xffff;
	[tilespmem:v3+s11+$0xFFFFFFA0 ss:$0x1] =	vst.idx.msk $0xffff, v21;
	v16 =	vmul.f32 v16, v7  }
0x133: {  	v18 =	vmul.f32 v18, v5;
	v21 =	vld.idx.msk [tilespmem:v3+s11+$0xFFFFFFB0 ss:$0x1], $0xffff;
	[tilespmem:v3+s10+$0xFFFFFEC0 ss:$0x1] =	vst.idx.msk $0xffff, v22  }
0x134: {  	[tilespmem:v3+s10+$0xFFFFFE30 ss:$0x1] =	vst.idx.msk $0xffff, v16;
	v16 =	vld.idx.msk [tilespmem:v3+s10+$0xFFFFFED0 ss:$0x1], $0xffff  }
0x135: {  	v19 =	vmul.f32 v19, v11;
	v22 =	vld.idx.msk [tilespmem:v3+s10+$0xFFFFFE40 ss:$0x1], $0xffff;
	[tilespmem:v3+s10+$0xFFFFFFE0 ss:$0x1] =	vst.idx.msk $0xffff, v18;
	v18 =	vnsel vm0, $0x0, v9;
	v9 =	vmov v5  }
0x136: {  	v20 =	vmul.f32 v20, v13;
	v5 =	vmov v4;
	v4 =	vmov v14;
	v25 =	vld.idx.msk [tilespmem:v3+s10+$0xFFFFFFF0 ss:$0x1], $0xffff;
	[tilespmem:v3+s0+$0x0 ss:$0x1] =	vst.idx.msk $0xffff, v18;
	s0 =	smov.u32 s10;
	s10 =	smov.u32 s11;
	s11 =	sadd.s32 $0x240, s11  }
0x137: {  	v17 =	vmul.f32 v17, v6;
	v14 =	vld.idx.msk [tilespmem:v3+s11+$0xFFFFFEF0 ss:$0x1], $0xffff;
	[tilespmem:v3+s10+$0xFFFFFF20 ss:$0x1] =	vst.idx.msk $0xffff, v19  }
0x138: {  	v18 =	vmul.f32 v24, v8;
	v19 =	vnsel vm0, $0x0, v13;
	v13 =	vmov v11;
	[tilespmem:v3+s0+$0xFFFFFF60 ss:$0x1] =	vst.idx.msk $0xffff, v20;
	v11 =	vld.idx.msk [tilespmem:v23+s28+$0x0], $0xffff  }
0x139: {  	v21 =	vmul.f32 v21, v5;
	v20 =	vld.idx.msk [tilespmem:v3+s10+$0xFFFFFF30 ss:$0x1], $0xffff;
	[tilespmem:v3+s0+$0xFFFFFF70 ss:$0x1] =	vst.idx.msk $0xffff, v19  }
0x13a: {  	s15 =	sadd.s32 $0x3, s13;
	v16 =	vmul.f32 v16, v10;
	v19 =	vld.idx.msk [tilespmem:v3+s11+$0xFFFFFDD0 ss:$0x1], $0xffff;
	[tilespmem:v3+s10+$0xFFFFFE90 ss:$0x1] =	vst.idx.msk $0xffff, v18  }
0x13b: {  	v18 =	vmov s15;
	v23 =	vld.idx.msk [tilespmem:v3+s11+$0xFFFFFE60 ss:$0x1], $0xffff;
	[tilespmem:v3+s10+$0xFFFFFE00 ss:$0x1] =	vst.idx.msk $0xffff, v17;
	v17 =	vmul.f32 v22, v7  }
0x13c: {  	v22 =	vld.idx.msk [tilespmem:v3+s11+$0xFFFFFF80 ss:$0x1], $0xffff;
	[tilespmem:v3+s10+$0xFFFFFFB0 ss:$0x1] =	vst.idx.msk $0xffff, v21;
	v21 =	vmul.f32 v25, v9  }
0x13d: {  	v24 =	vld.idx.msk [tilespmem:v3+s10+$0xFFFFFEA0 ss:$0x1], $0xffff;
	[tilespmem:v3+s0+$0xFFFFFED0 ss:$0x1] =	vst.idx.msk $0xffff, v16;
	v16 =	vnsel vm0, $0x0, v10;
	v10 =	vmov v8;
	v8 =	vmov v15  }
0x13e: {  	v15 =	vmul.f32 v14, v11;
	v25 =	vld.idx.msk [tilespmem:v3+s10+$0xFFFFFE10 ss:$0x1], $0xffff;
	[tilespmem:v3+s0+$0xFFFFFEE0 ss:$0x1] =	vst.idx.msk $0xffff, v16  }
0x13f: {  	v16 =	vmul.f32 v20, v13;
	v20 =	vld.idx.msk [tilespmem:v3+s10+$0xFFFFFFC0 ss:$0x1], $0xffff;
	[tilespmem:v3+s0+$0xFFFFFE40 ss:$0x1] =	vst.idx.msk $0xffff, v17  }
0x140: {  	v17 =	vmul.f32 v19, v12;
	v14 =	vld.idx.msk [tilespmem:v18+s28+$0x0], $0xffff;
	[tilespmem:v3+s11+$0xFFFFFEF0 ss:$0x1] =	vst.idx.msk $0xffff, v15  }
0x141: {  	v15 =	vmov s13;
	v18 =	vmul.f32 v23, v8;
	v19 =	vld.idx.msk [tilespmem:v3+s11+$0xFFFFFF00 ss:$0x1], $0xffff;
	[tilespmem:v3+s10+$0xFFFFFF30 ss:$0x1] =	vst.idx.msk $0xffff, v16  }
0x142: {  	v15 =	vand.u32 $0xFFFFFFFC, v15;
	v16 =	vmul.f32 v22, v4;
	[tilespmem:v3+s11+$0xFFFFFDD0 ss:$0x1] =	vst.idx.msk $0xffff, v17;
	v17 =	vld.idx.msk [tilespmem:v3+s10+$0xFFFFFF40 ss:$0x1], $0xffff  }
0x143: {  	v15 =	vbroadcast v15, $0x0;
	v22 =	vld.idx.msk [tilespmem:v3+s11+$0xFFFFFDE0 ss:$0x1], $0xffff;
	[tilespmem:v3+s11+$0xFFFFFE60 ss:$0x1] =	vst.idx.msk $0xffff, v18;
	v18 =	vmul.f32 v24, v10  }
0x144: {  	v23 =	vld.idx.msk [tilespmem:v3+s11+$0xFFFFFE70 ss:$0x1], $0xffff;
	[tilespmem:v3+s11+$0xFFFFFF80 ss:$0x1] =	vst.idx.msk $0xffff, v16;
	v16 =	vmul.f32 v25, v6  }
0x145: {  	v24 =	vld.idx.msk [tilespmem:v3+s11+$0xFFFFFF90 ss:$0x1], $0xffff;
	[tilespmem:v3+s10+$0xFFFFFEA0 ss:$0x1] =	vst.idx.msk $0xffff, v18;
	v18 =	vmul.f32 v20, v5  }
0x146: {  	[tilespmem:v3+s10+$0xFFFFFE10 ss:$0x1] =	vst.idx.msk $0xffff, v16;
	v16 =	vld.idx.msk [tilespmem:v3+s10+$0xFFFFFEB0 ss:$0x1], $0xffff  }
0x147: {  	v19 =	vmul.f32 v19, v11;
	v20 =	vld.idx.msk [tilespmem:v3+s10+$0xFFFFFE20 ss:$0x1], $0xffff;
	[tilespmem:v3+s10+$0xFFFFFFC0 ss:$0x1] =	vst.idx.msk $0xffff, v18;
	v18 =	vnsel vm0, $0x0, v7;
	v7 =	vmov v6  }
0x148: {  	v17 =	vmul.f32 v17, v13;
	v6 =	vmov v12;
	v25 =	vld.idx.msk [tilespmem:v3+s10+$0xFFFFFFD0 ss:$0x1], $0xffff;
	[tilespmem:v3+s0+$0xFFFFFE50 ss:$0x1] =	vst.idx.msk $0xffff, v18  }
0x149: {  	s15 =	sadd.s32 $0x1, s13;
	v12 =	vld.idx.msk [tilespmem:v15+s28+$0x0], $0xffff;
	v15 =	vmul.f32 v22, v6;
	[tilespmem:v3+s11+$0xFFFFFF00 ss:$0x1] =	vst.idx.msk $0xffff, v19  }
0x14a: {  	v18 =	vmov s15;
	v19 =	vmul.f32 v23, v8;
	v22 =	vld.idx.msk [tilespmem:v3+s11+$0xFFFFFF10 ss:$0x1], $0xffff;
	[tilespmem:v3+s10+$0xFFFFFF40 ss:$0x1] =	vst.idx.msk $0xffff, v17  }
0x14b: {  	v17 =	vand.u32 $0xFFFFFFFD, v18;
	[tilespmem:v3+s11+$0xFFFFFDE0 ss:$0x1] =	vst.idx.msk $0xffff, v15;
	v15 =	vmul.f32 v24, v4;
	v18 =	vld.idx.msk [tilespmem:v3+s10+$0xFFFFFF50 ss:$0x1], $0xffff  }
0x14c: {  	v17 =	vbroadcast v17, $0x0;
	v16 =	vmul.f32 v16, v10;
	v23 =	vld.idx.msk [tilespmem:v3+s11+$0xFFFFFDF0 ss:$0x1], $0xffff;
	[tilespmem:v3+s11+$0xFFFFFE70 ss:$0x1] =	vst.idx.msk $0xffff, v19  }
0x14d: {  	v19 =	vld.idx.msk [tilespmem:v3+s11+$0xFFFFFE80 ss:$0x1], $0xffff;
	[tilespmem:v3+s11+$0xFFFFFF90 ss:$0x1] =	vst.idx.msk $0xffff, v15;
	v15 =	vmul.f32 v20, v7  }
0x14e: {  	v24 =	vmul.f32 v25, v5;
	v20 =	vld.idx.msk [tilespmem:v3+s11+$0xFFFFFFA0 ss:$0x1], $0xffff;
	[tilespmem:v3+s10+$0xFFFFFEB0 ss:$0x1] =	vst.idx.msk $0xffff, v16  }
0x14f: {  	[tilespmem:v3+s10+$0xFFFFFE20 ss:$0x1] =	vst.idx.msk $0xffff, v15;
	v25 =	vld.idx.msk [tilespmem:v3+s10+$0xFFFFFEC0 ss:$0x1], $0xffff  }
0x150: {  	v22 =	vmul.f32 v22, v11;
	v16 =	vld.idx.msk [tilespmem:v3+s10+$0xFFFFFE30 ss:$0x1], $0xffff;
	[tilespmem:v3+s10+$0xFFFFFFD0 ss:$0x1] =	vst.idx.msk $0xffff, v24  }
.Ltmp6:
0x151: {  	v24 =	vmul.f32 v18, v13;
	v18 =	vld.idx.msk [tilespmem:v3+s10+$0xFFFFFFE0 ss:$0x1], $0xffff;
	[tilespmem:v3+s0+$0xFFFFFFF0 ss:$0x1] =	vst.idx.msk $0xffff, v21;
	(pc) =	sbr.rel @p0 .LBB2_12-.Ltmp6, $4  }
0x152: {  	v15 =	vld.idx.msk [tilespmem:v17+s28+$0x0], $0xffff;
	v17 =	vmul.f32 v23, v6;
	[tilespmem:v3+s11+$0xFFFFFF10 ss:$0x1] =	vst.idx.msk $0xffff, v22  }
0x153: {  	s15 =	sadd.s32 $0x2, s13;
	v22 =	vmul.f32 v19, v8;
	v19 =	vld.idx.msk [tilespmem:v3+s11+$0xFFFFFF20 ss:$0x1], $0xffff;
	[tilespmem:v3+s10+$0xFFFFFF50 ss:$0x1] =	vst.idx.msk $0xffff, v24  }
0x154: {  	v23 =	vmov s15;
	v21 =	vmul.f32 v20, v4;
	[tilespmem:v3+s11+$0xFFFFFDF0 ss:$0x1] =	vst.idx.msk $0xffff, v17;
	v20 =	vld.idx.msk [tilespmem:v3+s10+$0xFFFFFF60 ss:$0x1], $0xffff  }
0x155: {  	s13 =	sadd.s32 $0x4, s13;
	v23 =	vand.u32 $0xFFFFFFFE, v23;
	v17 =	vld.idx.msk [tilespmem:v3+s11+$0xFFFFFE00 ss:$0x1], $0xffff;
	[tilespmem:v3+s11+$0xFFFFFE80 ss:$0x1] =	vst.idx.msk $0xffff, v22;
	v22 =	vmul.f32 v25, v10  }
0x156: {  	_ =	sdelay $0x3  }
0x157: {  	[tilespmem:v3+s11+$0xFFFFFFA0 ss:$0x1] =	vst.idx.msk $0xffff, v21  }
0x158: {  	v24 =	vld.idx.msk [tilespmem:v3+s11+$0xFFFFFE90 ss:$0x1], $0xffff;
	v16 =	vmul.f32 v16, v7;
	s13 =	sadd.s32 $0x240, s11;
	v9 =	vnsel vm0, $0x0, v9;
	[tilespmem:v3+s10+$0xFFFFFEC0 ss:$0x1] =	vst.idx.msk $0xffff, v22  }
0x159: {  	v23 =	vbroadcast v23, $0x0;
	v18 =	vmul.f32 v18, v5;
	[tilespmem:v3+s0+$0x0 ss:$0x1] =	vst.idx.msk $0xffff, v9;
	v55 =	vld.idx.msk [tilespmem:v3+s13+$0xFFFFFE60 ss:$0x1], $0xffff  }
0x15a: {  	v59 =	vld.idx.msk [tilespmem:v3+s13+$0xFFFFFDD0 ss:$0x1], $0xffff;
	[tilespmem:v3+s10+$0xFFFFFE30 ss:$0x1] =	vst.idx.msk $0xffff, v16;
	v19 =	vmul.f32 v19, v11  }
0x15b: {  	v61 =	vld.idx.msk [tilespmem:v3+s13+$0xFFFFFF80 ss:$0x1], $0xffff;
	[tilespmem:v3+s10+$0xFFFFFFE0 ss:$0x1] =	vst.idx.msk $0xffff, v18;
	v54 =	vmul.f32 v20, v13  }
0x15c: {  	v53 =	vld.idx.msk [tilespmem:v3+s13+$0xFFFFFEF0 ss:$0x1], $0xffff;
	[tilespmem:v3+s11+$0xFFFFFF20 ss:$0x1] =	vst.idx.msk $0xffff, v19  }
0x15d: {  	v58 =	vnsel vm0, $0x0, v13;
	v56 =	vld.idx.msk [tilespmem:v3+s11+$0xFFFFFFB0 ss:$0x1], $0xffff;
	v17 =	vmul.f32 v17, v6;
	[tilespmem:v3+s10+$0xFFFFFF60 ss:$0x1] =	vst.idx.msk $0xffff, v54  }
0x15e: {  	v22 =	vld.idx.msk [tilespmem:v3+s10+$0xFFFFFED0 ss:$0x1], $0xffff;
	[tilespmem:v3+s10+$0xFFFFFF70 ss:$0x1] =	vst.idx.msk $0xffff, v58;
	v9 =	vmul.f32 v55, v15  }
0x15f: {  	v16 =	vld.idx.msk [tilespmem:v23+s28+$0x0], $0xffff;
	[tilespmem:v3+s11+$0xFFFFFE00 ss:$0x1] =	vst.idx.msk $0xffff, v17;
	v18 =	vmul.f32 v59, v12  }
0x160: {  	v28 =	vmul.f32 v61, v14;
	[tilespmem:v3+s13+$0xFFFFFE60 ss:$0x1] =	vst.idx.msk $0xffff, v9  }
0x161: {  	v57 =	vmul.f32 v24, v8;
	[tilespmem:v3+s13+$0xFFFFFDD0 ss:$0x1] =	vst.idx.msk $0xffff, v18;
	v26 =	vld.idx.msk [tilespmem:v3+s13+$0xFFFFFE70 ss:$0x1], $0xffff  }
0x162: {  	v62 =	vmul.f32 v56, v4;
	[tilespmem:v3+s13+$0xFFFFFF80 ss:$0x1] =	vst.idx.msk $0xffff, v28;
	v29 =	vld.idx.msk [tilespmem:v3+s13+$0xFFFFFDE0 ss:$0x1], $0xffff  }
0x163: {  	[tilespmem:v3+s11+$0xFFFFFE90 ss:$0x1] =	vst.idx.msk $0xffff, v57;
	v25 =	vmul.f32 v22, v10;
	v33 =	vld.idx.msk [tilespmem:v3+s13+$0xFFFFFF90 ss:$0x1], $0xffff  }
0x164: {  	v24 =	vld.idx.msk [tilespmem:v3+s10+$0xFFFFFE40 ss:$0x1], $0xffff;
	[tilespmem:v3+s11+$0xFFFFFFB0 ss:$0x1] =	vst.idx.msk $0xffff, v62;
	v60 =	vmul.f32 v53, v16  }
0x165: {  	v27 =	vld.idx.msk [tilespmem:v3+s11+$0xFFFFFF30 ss:$0x1], $0xffff;
	[tilespmem:v3+s10+$0xFFFFFED0 ss:$0x1] =	vst.idx.msk $0xffff, v25  }
0x166: {  	v31 =	vnsel vm0, $0x0, v10;
	[tilespmem:v3+s13+$0xFFFFFEF0 ss:$0x1] =	vst.idx.msk $0xffff, v60;
	v13 =	vmul.f32 v26, v15  }
0x167: {  	[tilespmem:v3+s10+$0xFFFFFEE0 ss:$0x1] =	vst.idx.msk $0xffff, v31;
	v63 =	vld.idx.msk [tilespmem:v3+s13+$0xFFFFFF00 ss:$0x1], $0xffff;
	v9 =	vmul.f32 v29, v12  }
0x168: {  	v56 =	vld.idx.msk [tilespmem:v3+s10+$0xFFFFFFF0 ss:$0x1], $0xffff;
	v40 =	vmul.f32 v33, v14;
	[tilespmem:v3+s13+$0xFFFFFE70 ss:$0x1] =	vst.idx.msk $0xffff, v13  }
0x169: {  	v32 =	vmul.f32 v24, v7;
	[tilespmem:v3+s13+$0xFFFFFDE0 ss:$0x1] =	vst.idx.msk $0xffff, v9;
	v39 =	vld.idx.msk [tilespmem:v3+s13+$0xFFFFFE80 ss:$0x1], $0xffff  }
0x16a: {  	v35 =	vmul.f32 v27, v11;
	[tilespmem:v3+s13+$0xFFFFFF90 ss:$0x1] =	vst.idx.msk $0xffff, v40;
	v42 =	vld.idx.msk [tilespmem:v3+s13+$0xFFFFFDF0 ss:$0x1], $0xffff  }
0x16b: {  	[tilespmem:v3+s10+$0xFFFFFE40 ss:$0x1] =	vst.idx.msk $0xffff, v32;
	v46 =	vld.idx.msk [tilespmem:v3+s13+$0xFFFFFFA0 ss:$0x1], $0xffff  }
0x16c: {  	v51 =	vnsel vm0, $0x0, v7;
	v34 =	vld.idx.msk [tilespmem:v3+s11+$0xFFFFFE10 ss:$0x1], $0xffff;
	[tilespmem:v3+s11+$0xFFFFFF30 ss:$0x1] =	vst.idx.msk $0xffff, v35;
	v17 =	vmul.f32 v63, v16  }
0x16d: {  	v30 =	vld.idx.msk [tilespmem:v3+s11+$0xFFFFFEA0 ss:$0x1], $0xffff;
	v24 =	vmul.f32 v56, v5;
	[tilespmem:v3+s10+$0xFFFFFE50 ss:$0x1] =	vst.idx.msk $0xffff, v51  }
0x16e: {  	v37 =	vld.idx.msk [tilespmem:v3+s11+$0xFFFFFFC0 ss:$0x1], $0xffff;
	[tilespmem:v3+s13+$0xFFFFFF00 ss:$0x1] =	vst.idx.msk $0xffff, v17;
	v48 =	vmul.f32 v39, v15  }
0x16f: {  	[tilespmem:v3+s10+$0xFFFFFFF0 ss:$0x1] =	vst.idx.msk $0xffff, v24;
	v36 =	vld.idx.msk [tilespmem:v3+s13+$0xFFFFFF10 ss:$0x1], $0xffff;
	v13 =	vmul.f32 v42, v12  }
0x170: {  	v10 =	vmul.f32 v46, v14;
	[tilespmem:v3+s13+$0xFFFFFE80 ss:$0x1] =	vst.idx.msk $0xffff, v48  }
0x171: {  	v41 =	vmul.f32 v34, v6;
	[tilespmem:v3+s13+$0xFFFFFDF0 ss:$0x1] =	vst.idx.msk $0xffff, v13;
	v53 =	vld.idx.msk [tilespmem:v3+s13+$0xFFFFFE90 ss:$0x1], $0xffff  }
0x172: {  	v38 =	vmul.f32 v30, v8;
	[tilespmem:v3+s13+$0xFFFFFFA0 ss:$0x1] =	vst.idx.msk $0xffff, v10;
	v13 =	vld.idx.msk [tilespmem:v3+s13+$0xFFFFFE00 ss:$0x1], $0xffff  }
0x173: {  	v45 =	vmul.f32 v37, v4;
	[tilespmem:v3+s11+$0xFFFFFE10 ss:$0x1] =	vst.idx.msk $0xffff, v41;
	v59 =	vld.idx.msk [tilespmem:v3+s13+$0xFFFFFFB0 ss:$0x1], $0xffff  }
0x174: {  	v43 =	vld.idx.msk [tilespmem:v3+s11+$0xFFFFFF40 ss:$0x1], $0xffff;
	[tilespmem:v3+s11+$0xFFFFFEA0 ss:$0x1] =	vst.idx.msk $0xffff, v38;
	v44 =	vmul.f32 v36, v16  }
0x175: {  	v50 =	vld.idx.msk [tilespmem:v3+s11+$0xFFFFFE20 ss:$0x1], $0xffff;
	[tilespmem:v3+s11+$0xFFFFFFC0 ss:$0x1] =	vst.idx.msk $0xffff, v45  }
0x176: {  	v47 =	vld.idx.msk [tilespmem:v3+s11+$0xFFFFFEB0 ss:$0x1], $0xffff;
	v40 =	vnsel vm0, $0x0, v5;
	[tilespmem:v3+s13+$0xFFFFFF10 ss:$0x1] =	vst.idx.msk $0xffff, v44;
	v7 =	vmul.f32 v53, v15  }
0x177: {  	[tilespmem:v3+s10+$0x0 ss:$0x1] =	vst.idx.msk $0xffff, v40;
	v49 =	vld.idx.msk [tilespmem:v3+s13+$0xFFFFFF20 ss:$0x1], $0xffff;
	v13 =	vmul.f32 v13, v12  }
0x178: {  	v54 =	vld.idx.msk [tilespmem:v3+s11+$0xFFFFFFD0 ss:$0x1], $0xffff;
	v9 =	vmul.f32 v59, v14;
	[tilespmem:v3+s13+$0xFFFFFE90 ss:$0x1] =	vst.idx.msk $0xffff, v7  }
0x179: {  	v52 =	vmul.f32 v43, v11;
	[tilespmem:v3+s13+$0xFFFFFE00 ss:$0x1] =	vst.idx.msk $0xffff, v13;
	v25 =	vld.idx.msk [tilespmem:v3+s13+$0xFFFFFEA0 ss:$0x1], $0xffff  }
0x17a: {  	v58 =	vmul.f32 v50, v6;
	[tilespmem:v3+s13+$0xFFFFFFB0 ss:$0x1] =	vst.idx.msk $0xffff, v9;
	v28 =	vld.idx.msk [tilespmem:v3+s13+$0xFFFFFE10 ss:$0x1], $0xffff  }
0x17b: {  	[tilespmem:v3+s11+$0xFFFFFF40 ss:$0x1] =	vst.idx.msk $0xffff, v52;
	v55 =	vmul.f32 v47, v8;
	v32 =	vld.idx.msk [tilespmem:v3+s13+$0xFFFFFFC0 ss:$0x1], $0xffff  }
0x17c: {  	v60 =	vld.idx.msk [tilespmem:v3+s11+$0xFFFFFF50 ss:$0x1], $0xffff;
	[tilespmem:v3+s11+$0xFFFFFE20 ss:$0x1] =	vst.idx.msk $0xffff, v58;
	v57 =	vmul.f32 v49, v16  }
0x17d: {  	v61 =	vmul.f32 v54, v4;
	[tilespmem:v3+s11+$0xFFFFFEB0 ss:$0x1] =	vst.idx.msk $0xffff, v55;
	v26 =	vld.idx.msk [tilespmem:v3+s11+$0xFFFFFE30 ss:$0x1], $0xffff  }
0x17e: {  	v63 =	vld.idx.msk [tilespmem:v3+s11+$0xFFFFFEC0 ss:$0x1], $0xffff;
	[tilespmem:v3+s13+$0xFFFFFF20 ss:$0x1] =	vst.idx.msk $0xffff, v57;
	v33 =	vmul.f32 v25, v15  }
0x17f: {  	[tilespmem:v3+s11+$0xFFFFFFD0 ss:$0x1] =	vst.idx.msk $0xffff, v61;
	v62 =	vld.idx.msk [tilespmem:v3+s13+$0xFFFFFF30 ss:$0x1], $0xffff;
	v7 =	vmul.f32 v28, v12  }
0x180: {  	v29 =	vld.idx.msk [tilespmem:v3+s11+$0xFFFFFFE0 ss:$0x1], $0xffff;
	v17 =	vmul.f32 v32, v14;
	[tilespmem:v3+s13+$0xFFFFFEA0 ss:$0x1] =	vst.idx.msk $0xffff, v33  }
0x181: {  	v27 =	vmul.f32 v60, v11;
	[tilespmem:v3+s13+$0xFFFFFE10 ss:$0x1] =	vst.idx.msk $0xffff, v7;
	v38 =	vld.idx.msk [tilespmem:v3+s13+$0xFFFFFEB0 ss:$0x1], $0xffff  }
0x182: {  	v34 =	vmul.f32 v26, v6;
	[tilespmem:v3+s13+$0xFFFFFFC0 ss:$0x1] =	vst.idx.msk $0xffff, v17;
	v7 =	vld.idx.msk [tilespmem:v3+s13+$0xFFFFFE20 ss:$0x1], $0xffff  }
0x183: {  	[tilespmem:v3+s11+$0xFFFFFF50 ss:$0x1] =	vst.idx.msk $0xffff, v27;
	v31 =	vmul.f32 v63, v8;
	v42 =	vld.idx.msk [tilespmem:v3+s13+$0xFFFFFFD0 ss:$0x1], $0xffff  }
0x184: {  	v36 =	vld.idx.msk [tilespmem:v3+s11+$0xFFFFFF60 ss:$0x1], $0xffff;
	[tilespmem:v3+s11+$0xFFFFFE30 ss:$0x1] =	vst.idx.msk $0xffff, v34;
	v30 =	vmul.f32 v62, v16  }
0x185: {  	v37 =	vmul.f32 v29, v4;
	[tilespmem:v3+s11+$0xFFFFFEC0 ss:$0x1] =	vst.idx.msk $0xffff, v31  }
0x186: {  	v43 =	vld.idx.msk [tilespmem:v3+s11+$0xFFFFFE40 ss:$0x1], $0xffff;
	[tilespmem:v3+s13+$0xFFFFFF30 ss:$0x1] =	vst.idx.msk $0xffff, v30;
	v10 =	vmul.f32 v38, v15  }
0x187: {  	[tilespmem:v3+s11+$0xFFFFFFE0 ss:$0x1] =	vst.idx.msk $0xffff, v37;
	v35 =	vld.idx.msk [tilespmem:v3+s13+$0xFFFFFF40 ss:$0x1], $0xffff;
	v7 =	vmul.f32 v7, v12  }
0x188: {  	v39 =	vld.idx.msk [tilespmem:v3+s11+$0xFFFFFED0 ss:$0x1], $0xffff;
	v5 =	vmul.f32 v42, v14;
	[tilespmem:v3+s13+$0xFFFFFEB0 ss:$0x1] =	vst.idx.msk $0xffff, v10  }
0x189: {  	v41 =	vmul.f32 v36, v11;
	[tilespmem:v3+s13+$0xFFFFFE20 ss:$0x1] =	vst.idx.msk $0xffff, v7;
	v10 =	vld.idx.msk [tilespmem:v3+s13+$0xFFFFFEC0 ss:$0x1], $0xffff  }
0x18a: {  	[tilespmem:v3+s13+$0xFFFFFFD0 ss:$0x1] =	vst.idx.msk $0xffff, v5;
	v7 =	vld.idx.msk [tilespmem:v3+s13+$0xFFFFFE30 ss:$0x1], $0xffff  }
0x18b: {  	v44 =	vnsel vm0, $0x0, v11;
	[tilespmem:v3+s11+$0xFFFFFF60 ss:$0x1] =	vst.idx.msk $0xffff, v41;
	v48 =	vmul.f32 v43, v6;
	v49 =	vld.idx.msk [tilespmem:v3+s13+$0xFFFFFFE0 ss:$0x1], $0xffff  }
0x18c: {  	[tilespmem:v3+s11+$0xFFFFFF70 ss:$0x1] =	vst.idx.msk $0xffff, v44;
	v13 =	vmul.f32 v35, v16  }
0x18d: {  	v9 =	vmul.f32 v39, v8;
	[tilespmem:v3+s11+$0xFFFFFE40 ss:$0x1] =	vst.idx.msk $0xffff, v48  }
0x18e: {  	v45 =	vld.idx.msk [tilespmem:v3+s11+$0xFFFFFFF0 ss:$0x1], $0xffff;
	[tilespmem:v3+s13+$0xFFFFFF40 ss:$0x1] =	vst.idx.msk $0xffff, v13;
	v50 =	vmul.f32 v10, v15  }
0x18f: {  	[tilespmem:v3+s11+$0xFFFFFED0 ss:$0x1] =	vst.idx.msk $0xffff, v9;
	v13 =	vld.idx.msk [tilespmem:v3+s13+$0xFFFFFF50 ss:$0x1], $0xffff;
	v7 =	vmul.f32 v7, v12  }
0x190: {  	v46 =	vnsel vm0, $0x0, v8;
	v8 =	vmul.f32 v49, v14;
	[tilespmem:v3+s13+$0xFFFFFEC0 ss:$0x1] =	vst.idx.msk $0xffff, v50  }
0x191: {  	[tilespmem:v3+s13+$0xFFFFFE30 ss:$0x1] =	vst.idx.msk $0xffff, v7;
	v54 =	vld.idx.msk [tilespmem:v3+s13+$0xFFFFFED0 ss:$0x1], $0xffff  }
0x192: {  	v52 =	vnsel vm0, $0x0, v6;
	[tilespmem:v3+s13+$0xFFFFFFE0 ss:$0x1] =	vst.idx.msk $0xffff, v8;
	v55 =	vld.idx.msk [tilespmem:v3+s13+$0xFFFFFE40 ss:$0x1], $0xffff  }
0x193: {  	v53 =	vmul.f32 v45, v4;
	[tilespmem:v3+s11+$0xFFFFFE50 ss:$0x1] =	vst.idx.msk $0xffff, v52;
	v8 =	vld.idx.msk [tilespmem:v3+s13+$0xFFFFFFF0 ss:$0x1], $0xffff  }
0x194: {  	[tilespmem:v3+s11+$0xFFFFFEE0 ss:$0x1] =	vst.idx.msk $0xffff, v46;
	v47 =	vmul.f32 v13, v16  }
0x195: {  	[tilespmem:v3+s11+$0xFFFFFFF0 ss:$0x1] =	vst.idx.msk $0xffff, v53  }
0x196: {  	v56 =	vnsel vm0, $0x0, v4;
	[tilespmem:v3+s13+$0xFFFFFF50 ss:$0x1] =	vst.idx.msk $0xffff, v47;
	v6 =	vmul.f32 v54, v15  }
0x197: {  	[tilespmem:v3+s11+$0x0 ss:$0x1] =	vst.idx.msk $0xffff, v56;
	v51 =	vld.idx.msk [tilespmem:v3+s13+$0xFFFFFF60 ss:$0x1], $0xffff;
	v59 =	vmul.f32 v55, v12  }
0x198: {  	v61 =	vmul.f32 v8, v14;
	[tilespmem:v3+s13+$0xFFFFFED0 ss:$0x1] =	vst.idx.msk $0xffff, v6  }
0x199: {  	[tilespmem:v3+s13+$0xFFFFFE40 ss:$0x1] =	vst.idx.msk $0xffff, v59  }
0x19a: {  	s17 =	smul.u32 $0x640, s3;
	s31 =	sadd.s32 $0x1, s31;
	v60 =	vnsel vm0, $0x0, v15;
	[tilespmem:v3+s13+$0xFFFFFFF0 ss:$0x1] =	vst.idx.msk $0xffff, v61  }
0x19b: {  	s24 =	smul.u32 $0x140, s24;
	p0 =	sne.s32 s31, $0x7D;
	v62 =	vnsel vm0, $0x0, v12;
	[tilespmem:v3+s13+$0xFFFFFEE0 ss:$0x1] =	vst.idx.msk $0xffff, v60  }
.Ltmp7:
0x19c: {  	v63 =	vnsel vm0, $0x0, v14;
	[tilespmem:v3+s13+$0xFFFFFE50 ss:$0x1] =	vst.idx.msk $0xffff, v62;
	v57 =	vmul.f32 v51, v16;
	(pc) =	sbr.rel @p0 .LBB2_4-.Ltmp7, $4  }
.Ltmp8:
0x19d: {  	s0 =	sshrl.u32 s17, $0x2;
	s3 =	sshrl.u32 s24, $0x2;
	[tilespmem:v3+s13+$0x0 ss:$0x1] =	vst.idx.msk $0xffff, v63;
	(pc) =	sbr.rel @!p0 .LBB2_14-.Ltmp8, $4  }
0x19e: {  	s0 =	sadd.s32 s3, s0;
	v58 =	vnsel vm0, $0x0, v16;
	[tilespmem:v3+s13+$0xFFFFFF60 ss:$0x1] =	vst.idx.msk $0xffff, v57  }
0x19f: {  	s26 =	sadd.s32 $0x7, s26;
	s14 =	sadd.s32 $0x2D00, s14;
	s0 =	sadd.s32 $0x4B0, s0;
	[tilespmem:v3+s13+$0xFFFFFF70 ss:$0x1] =	vst.idx.msk $0xffff, v58  }
0x1a0: {  	[spmem:s2] =	stream.indirect.scatter.add.f32 [tilespmem:s12], [sflag:s26], $0x90, s0, s29, $0xb8;
	[tilespmem:$0x1F130] =	vst v63  }
0x1a1: {  	_ = 	snop  }
.LBB2_7:
.Ltmp9:
0x1a2: {  	(pc) =	sbr.rel @p0 .LBB2_9-.Ltmp9, $4  }
.Ltmp10:
0x1a3: {  	(pc) =	sbr.rel @!p0 .LBB2_8-.Ltmp10, $4  }
0x1a4: {  	_ = 	snop  }
0x1a5: {  	_ = 	snop  }
0x1a6: {  	_ = 	snop  }
0x1a7: {  	_ = 	snop  }
.LBB2_15:
0x1a8: {  	_ =	sfence.sel $0x180000  }
0x1a9: {  	[bflag:$0x0] =	sbarrier.arrive $0xFFFF  }
0x1aa: {  	_ =	strace $0x90000047  }
0x1ab: {  	s0 =	stileid.u32;
	[bflag:$0x2] =	sbarrier.arrive $0xFFFF  }
0x1ac: {  	p0 =	sne.s32 s0, $0x0;
	s0 =	rddreg [dreg:$0x3]  }
0x1ad: {  	s0 =	sadd.s32 @!p0 $0x100000, s0  }
0x1ae: {  	[sflag:s0] =	ssyncadd.tile.s32 @!p0 $0x1;
	_ =	shalt  }
.Lfunc_end2:
_tile_overlayer_lowered:
.L_overlay_start_2:
0x1af: {  	(tag) =	ssettag $0x2  }
0x1b0: {  	s0 =	rddreg [dreg:$0x0];
	s2 =	stileid.u32  }
0x1b1: {  	s1 =	rddreg [dreg:$0x1];
	p0 =	sne.s32 s2, $0x0  }
0x1b2: {  	s3 =	rddreg [dreg:$0x2];
	[bflag:$0x3] =	sbarrier.arrive $0xFFFF;
	s2 =	simm.s32 @!p0 $0x1C0A  }
0x1b3: {  	[timem:s3], [sflag:s2] =	dma.local @!p0 [hbm:s0], s1  }
0x1b4: {  	s0 =	simm.s32 @!p0 $0xA  }
0x1b5: {  	_ =	swait.ge @!p0 [sflag:s0], s1  }
0x1b6: {  	s1 =	ssub.s32 @!p0 $0x0, s1;
	[sflag:s0] =	ssyncset.done @!p0 $0x0  }
0x1b7: {  	[sflag:s0] =	ssyncadd.s32 @!p0 s1  }
0x1b8: {  	[bflag:$0x3] =	sbarrier.arrive $0xFFFF  }
0x1b9: {  	_ =	shalt  }

</sc_bundles>
